<compile_context>
chip_gen: v7x
topology: tpu7x:2x2x1
jax: 0.10.2.dev20260603
libtpu: 0.0.44.dev20260713+nightly
codegen_flags: <defaults>
</compile_context>

<pallas_src>
import functools

import jax
import jax.numpy as jnp
from jax import lax
from jax.experimental import pallas as pl
from jax.experimental.pallas import tpu as pltpu
from jax.experimental.pallas import tpu_sc as plsc

N = 16777216
NBINS = 256
NW = 32
PER_W = N // NW
CHUNK = 32768
NCHUNK = PER_W // CHUNK
HSTRIDE = NBINS + 1
UNROLL = 8
LANES = 16

_mesh = plsc.VectorSubcoreMesh(core_axis_name="c", subcore_axis_name="s")


@functools.partial(
    pl.kernel,
    mesh=_mesh,
    out_type=jax.ShapeDtypeStruct((NW, NBINS), jnp.float32),
    compiler_params=pltpu.CompilerParams(needs_layout_passes=False),
    scratch_types=[
        pltpu.VMEM((CHUNK,), jnp.float32),
        pltpu.VMEM((CHUNK,), jnp.float32),
        pltpu.VMEM((LANES * HSTRIDE,), jnp.float32),
        pltpu.VMEM((NBINS,), jnp.float32),
        pltpu.SemaphoreType.DMA,
        pltpu.SemaphoreType.DMA,
    ],
)
def _hist_kernel(x_hbm, out_hbm, buf0, buf1, hist, hrow, sem0, sem1):
    cid = lax.axis_index("c")
    sid = lax.axis_index("s")
    wid = sid * 2 + cid
    base = wid * PER_W

    zeros = jnp.zeros((LANES,), jnp.float32)
    ones = jnp.ones((LANES,), jnp.float32)
    lane_base = lax.iota(jnp.int32, LANES) * HSTRIDE

    def zero_body(j, _):
        hist[pl.ds(j * LANES, LANES)] = zeros
        return 0
    lax.fori_loop(0, HSTRIDE, zero_body, 0)

    def process(buf):
        @plsc.parallel_loop(0, CHUNK // LANES, unroll=UNROLL)
        def _(j):
            v = buf[pl.ds(j * LANES, LANES)]
            v = jnp.maximum(v, -4.0)
            t = (v + 4.0) * 32.0
            t = jnp.minimum(t, 255.0)
            idx = t.astype(jnp.int32)
            plsc.addupdate_scatter(hist, [idx + lane_base], ones)

    bufs = (buf0, buf1)
    sems = (sem0, sem1)

    pltpu.async_copy(x_hbm.at[pl.ds(base, CHUNK)], buf0, sem0)

    def pair_body(p, _):
        for b in range(2):
            c = p * 2 + b
            nxt = c + 1

            @pl.when(nxt < NCHUNK)
            def _():
                pltpu.async_copy(
                    x_hbm.at[pl.ds(base + nxt * CHUNK, CHUNK)],
                    bufs[(b + 1) % 2], sems[(b + 1) % 2])

            pltpu.make_async_copy(
                x_hbm.at[pl.ds(base + c * CHUNK, CHUNK)],
                bufs[b], sems[b]).wait()
            process(bufs[b])
        return 0
    lax.fori_loop(0, NCHUNK // 2, pair_body, 0)

    for g in range(NBINS // LANES):
        acc = hist[pl.ds(g * LANES, LANES)]
        for lane in range(1, LANES):
            acc = acc + hist[pl.ds(lane * HSTRIDE + g * LANES, LANES)]
        hrow[pl.ds(g * LANES, LANES)] = acc

    pltpu.sync_copy(hrow, out_hbm.at[wid])


def kernel(x):
    partials = _hist_kernel(x)
    return jnp.sum(partials, axis=0)

# --- scband reference (transcript-rebuilt; emitter-appended) ---
"""Pipeline reference for scband-hard-histogram-2473901163126 (READ-ONLY COPY).

The authoritative reference and input builder live on the scoring server;
editing this copy changes nothing except your own understanding.
"""

import jax, jax.numpy as jnp
import numpy as np

BINS = 256
MIN_VAL = -4.0
MAX_VAL = 4.0
DELTA = float(MAX_VAL - MIN_VAL) / float(BINS)


def setup_inputs(seed: int = 0) -> dict:
    key = jax.random.key(seed)
    x = jax.random.normal(key, (16777216,), dtype=jnp.float32)
    return {"x": x}


def reference(x):
    xf = x.reshape(-1)
    xf = jnp.clip(xf, MIN_VAL, MAX_VAL)
    bin_idx = ((xf - MIN_VAL) / DELTA).astype(jnp.int32)
    bin_idx = jnp.clip(bin_idx, 0, BINS - 1)
    histogram = jnp.zeros((BINS,), dtype=jnp.float32).at[bin_idx].add(
        jnp.ones_like(bin_idx, dtype=jnp.float32))
    return histogram

if __name__ == "__main__":
    import jax
    _d = setup_inputs()
    print(jax.jit(kernel)(*tuple(_d.values())))

</pallas_src>

<mosaic_0001>
#map = affine_map<(d0, d1) -> (0)>
#map1 = affine_map<(d0, d1) -> (0, 0)>
module attributes {stable_mosaic.version = 14 : i64} {
  func.func @_hist_kernel(%arg0: i32, %arg1: i32, %arg2: memref<16777216xf32, #tpu.memory_space<hbm>>, %arg3: memref<32x256xf32, #tpu.memory_space<hbm>>, %arg4: memref<32768xf32, #tpu.memory_space<vmem>>, %arg5: memref<32768xf32, #tpu.memory_space<vmem>>, %arg6: memref<4112xf32, #tpu.memory_space<vmem>>, %arg7: memref<256xf32, #tpu.memory_space<vmem>>, %arg8: memref<!tpu.dma_semaphore, #tpu.memory_space<semaphore_mem>>, %arg9: memref<!tpu.dma_semaphore, #tpu.memory_space<semaphore_mem>>) attributes {dimension_semantics = [#tpu.dimension_semantics<core_parallel>, #tpu.dimension_semantics<subcore_parallel>], iteration_bounds = array<i64: 2, 16>, scalar_prefetch = 0 : i64, scratch_operands = 6 : i64, tpu.core_type = #tpu.core_type<sc_vector_subcore>, window_params = [{transform_indices = #map}, {transform_indices = #map1}]} {
    %mul3A = arith.constant 2 : i32
    %mul3A_0 = arith.muli %arg1, %mul3A : i32
    %add3A = arith.addi %mul3A_0, %arg0 : i32
    %mul3A_1 = arith.constant 524288 : i32
    %mul3A_2 = arith.muli %add3A, %mul3A_1 : i32
    %broadcast_in_dim3A = arith.constant 0.000000e+00 : f32
    %broadcast_in_dim3A_3 = vector.broadcast %broadcast_in_dim3A : f32 to vector<16xf32>
    %broadcast_in_dim3A_4 = arith.constant 1.000000e+00 : f32
    %broadcast_in_dim3A_5 = vector.broadcast %broadcast_in_dim3A_4 : f32 to vector<16xf32>
    %iota3A = tpu.iota {dimensions = array<i32: 0>} : vector<16xi32>
    %mul3A_6 = arith.constant 257 : i32
    %mul3A_7 = vector.broadcast %mul3A_6 : i32 to vector<16xi32>
    %mul3A_8 = arith.muli %iota3A, %mul3A_7 : vector<16xi32>
    %scan3A = arith.constant 0 : i32
    %scan3A_9 = arith.constant 0 : i32
    %scan3A_10 = arith.constant 257 : i32
    %scan3A_11 = arith.addi %scan3A_9, %scan3A_10 : i32
    %scan3A_12 = arith.constant 1 : i32
    %scan3A_13 = scf.for %scan3A_805 = %scan3A_9 to %scan3A_11 step %scan3A_12 iter_args(%scan3A_806 = %scan3A) -> (i32)  : i32 {
      %mul3A_807 = arith.constant 16 : i32
      %mul3A_808 = arith.muli %scan3A_805, %mul3A_807 : i32
      %swap3A_809 = arith.index_cast %mul3A_808 : i32 to index
      %swap3A_810 = tpu.vector_load %arg6[%swap3A_809] {strides = array<i32>} : memref<4112xf32, #tpu.memory_space<vmem>>, vector<16xf32>,
      tpu.vector_store %arg6[%swap3A_809], %broadcast_in_dim3A_3 {strides = array<i32>} : memref<4112xf32, #tpu.memory_space<vmem>>, vector<16xf32>,
      %scan3A_811 = arith.constant 0 : i32
      scf.yield %scan3A_811 : i32
    }
    %scan3A_14 = arith.constant 257 : i32
    %dma_start3A = tpu.memref_slice %arg2[%mul3A_2] : memref<16777216xf32, #tpu.memory_space<hbm>> -> memref<32768xf32, #tpu.memory_space<hbm>>
    %dma_start3A_15 = tpu.memref_slice %arg2[%mul3A_2] : memref<16777216xf32, #tpu.memory_space<hbm>> -> memref<32768xf32, #tpu.memory_space<hbm>>
    tpu.enqueue_dma source(%dma_start3A_15 : memref<32768xf32, #tpu.memory_space<hbm>>) target(%arg4 : memref<32768xf32, #tpu.memory_space<vmem>>) target_semaphore(%arg8 : memref<!tpu.dma_semaphore, #tpu.memory_space<semaphore_mem>>)
    %scan3A_16 = arith.constant 0 : i32
    %scan3A_17 = arith.constant 0 : i32
    %scan3A_18 = arith.constant 8 : i32
    %scan3A_19 = arith.addi %scan3A_17, %scan3A_18 : i32
    %scan3A_20 = arith.constant 1 : i32
    %scan3A_21 = scf.for %scan3A_805 = %scan3A_17 to %scan3A_19 step %scan3A_20 iter_args(%scan3A_806 = %scan3A_16) -> (i32)  : i32 {
      %mul3A_807 = arith.constant 2 : i32
      %mul3A_808 = arith.muli %scan3A_805, %mul3A_807 : i32
      %add3A_809 = arith.constant 0 : i32
      %add3A_810 = arith.addi %mul3A_808, %add3A_809 : i32
      %add3A_811 = arith.constant 1 : i32
      %add3A_812 = arith.addi %add3A_810, %add3A_811 : i32
      %lt3A = arith.constant 16 : i32
      %lt3A_813 = arith.cmpi slt, %add3A_812, %lt3A : i32
      %convert_element_type3A = arith.extui %lt3A_813 : i1 to i32
      %cond3A = arith.constant 0 : i32
      %cond3A_814 = arith.cmpi ne, %convert_element_type3A, %cond3A : i32
      scf.if %cond3A_814 {
        %mul3A_841 = arith.constant 32768 : i32
        %mul3A_842 = arith.muli %add3A_812, %mul3A_841 : i32
        %add3A_843 = arith.addi %mul3A_2, %mul3A_842 : i32
        %dma_start3A_844 = tpu.memref_slice %arg2[%add3A_843] : memref<16777216xf32, #tpu.memory_space<hbm>> -> memref<32768xf32, #tpu.memory_space<hbm>>
        %dma_start3A_845 = tpu.memref_slice %arg2[%add3A_843] : memref<16777216xf32, #tpu.memory_space<hbm>> -> memref<32768xf32, #tpu.memory_space<hbm>>
        tpu.enqueue_dma source(%dma_start3A_845 : memref<32768xf32, #tpu.memory_space<hbm>>) target(%arg5 : memref<32768xf32, #tpu.memory_space<vmem>>) target_semaphore(%arg9 : memref<!tpu.dma_semaphore, #tpu.memory_space<semaphore_mem>>)
      } else {
      }
      %mul3A_815 = arith.constant 32768 : i32
      %mul3A_816 = arith.muli %add3A_810, %mul3A_815 : i32
      %add3A_817 = arith.addi %mul3A_2, %mul3A_816 : i32
      %dma_wait3A = tpu.memref_slice %arg2[%add3A_817] : memref<16777216xf32, #tpu.memory_space<hbm>> -> memref<32768xf32, #tpu.memory_space<hbm>>
      %dma_wait3A_818 = tpu.memref_slice %arg2[%add3A_817] : memref<16777216xf32, #tpu.memory_space<hbm>> -> memref<32768xf32, #tpu.memory_space<hbm>>
      tpu.wait_dma2 semaphore(%arg8 : memref<!tpu.dma_semaphore, #tpu.memory_space<semaphore_mem>>) src(%dma_wait3A_818 : memref<32768xf32, #tpu.memory_space<hbm>>) dst(%arg4 : memref<32768xf32, #tpu.memory_space<vmem>>)
      %parallel_loop3A = arith.constant 0 : i32
      %parallel_loop3A_819 = arith.constant 2048 : i32
      %parallel_loop3A_820 = arith.constant 1 : i32
      scf.for %parallel_loop3A_841 = %parallel_loop3A to %parallel_loop3A_819 step %parallel_loop3A_820  : i32 {
        %parallel_loop3A_842 = arith.constant 16 : i32
        %parallel_loop3A_843 = arith.muli %parallel_loop3A_841, %parallel_loop3A_842 : i32
        %parallel_loop3A_844 = arith.index_cast %parallel_loop3A_843 : i32 to index
        %parallel_loop3A_845 = tpu.vector_load %arg4[%parallel_loop3A_844] {strides = array<i32>} : memref<32768xf32, #tpu.memory_space<vmem>>, vector<16xf32>,
        %parallel_loop3A_846 = arith.constant -4.000000e+00 : f32
        %parallel_loop3A_847 = vector.broadcast %parallel_loop3A_846 : f32 to vector<16xf32>
        %parallel_loop3A_848 = arith.maximumf %parallel_loop3A_845, %parallel_loop3A_847 : vector<16xf32>
        %parallel_loop3A_849 = arith.constant 4.000000e+00 : f32
        %parallel_loop3A_850 = vector.broadcast %parallel_loop3A_849 : f32 to vector<16xf32>
        %parallel_loop3A_851 = arith.addf %parallel_loop3A_848, %parallel_loop3A_850 : vector<16xf32>
        %parallel_loop3A_852 = arith.constant 3.200000e+01 : f32
        %parallel_loop3A_853 = vector.broadcast %parallel_loop3A_852 : f32 to vector<16xf32>
        %parallel_loop3A_854 = arith.mulf %parallel_loop3A_851, %parallel_loop3A_853 : vector<16xf32>
        %parallel_loop3A_855 = arith.constant 2.550000e+02 : f32
        %parallel_loop3A_856 = vector.broadcast %parallel_loop3A_855 : f32 to vector<16xf32>
        %parallel_loop3A_857 = arith.minimumf %parallel_loop3A_854, %parallel_loop3A_856 : vector<16xf32>
        %parallel_loop3A_858 = arith.fptosi %parallel_loop3A_857 : vector<16xf32> to vector<16xi32>
        %parallel_loop3A_859 = arith.addi %parallel_loop3A_858, %mul3A_8 : vector<16xi32>
        tpu.vector_store_idx %arg6[%parallel_loop3A_859], %broadcast_in_dim3A_5 {add = true} : memref<4112xf32, #tpu.memory_space<vmem>>[vector<16xi32>], vector<16xf32>,
      } {sc.loop_unroll_factor = 8 : i64, sc.parallel_access}
      %mul3A_821 = arith.constant 2 : i32
      %mul3A_822 = arith.muli %scan3A_805, %mul3A_821 : i32
      %add3A_823 = arith.constant 1 : i32
      %add3A_824 = arith.addi %mul3A_822, %add3A_823 : i32
      %add3A_825 = arith.constant 1 : i32
      %add3A_826 = arith.addi %add3A_824, %add3A_825 : i32
      %lt3A_827 = arith.constant 16 : i32
      %lt3A_828 = arith.cmpi slt, %add3A_826, %lt3A_827 : i32
      %convert_element_type3A_829 = arith.extui %lt3A_828 : i1 to i32
      %cond3A_830 = arith.constant 0 : i32
      %cond3A_831 = arith.cmpi ne, %convert_element_type3A_829, %cond3A_830 : i32
      scf.if %cond3A_831 {
        %mul3A_841 = arith.constant 32768 : i32
        %mul3A_842 = arith.muli %add3A_826, %mul3A_841 : i32
        %add3A_843 = arith.addi %mul3A_2, %mul3A_842 : i32
        %dma_start3A_844 = tpu.memref_slice %arg2[%add3A_843] : memref<16777216xf32, #tpu.memory_space<hbm>> -> memref<32768xf32, #tpu.memory_space<hbm>>
        %dma_start3A_845 = tpu.memref_slice %arg2[%add3A_843] : memref<16777216xf32, #tpu.memory_space<hbm>> -> memref<32768xf32, #tpu.memory_space<hbm>>
        tpu.enqueue_dma source(%dma_start3A_845 : memref<32768xf32, #tpu.memory_space<hbm>>) target(%arg4 : memref<32768xf32, #tpu.memory_space<vmem>>) target_semaphore(%arg8 : memref<!tpu.dma_semaphore, #tpu.memory_space<semaphore_mem>>)
      } else {
      }
      %mul3A_832 = arith.constant 32768 : i32
      %mul3A_833 = arith.muli %add3A_824, %mul3A_832 : i32
      %add3A_834 = arith.addi %mul3A_2, %mul3A_833 : i32
      %dma_wait3A_835 = tpu.memref_slice %arg2[%add3A_834] : memref<16777216xf32, #tpu.memory_space<hbm>> -> memref<32768xf32, #tpu.memory_space<hbm>>
      %dma_wait3A_836 = tpu.memref_slice %arg2[%add3A_834] : memref<16777216xf32, #tpu.memory_space<hbm>> -> memref<32768xf32, #tpu.memory_space<hbm>>
      tpu.wait_dma2 semaphore(%arg9 : memref<!tpu.dma_semaphore, #tpu.memory_space<semaphore_mem>>) src(%dma_wait3A_836 : memref<32768xf32, #tpu.memory_space<hbm>>) dst(%arg5 : memref<32768xf32, #tpu.memory_space<vmem>>)
      %parallel_loop3A_837 = arith.constant 0 : i32
      %parallel_loop3A_838 = arith.constant 2048 : i32
      %parallel_loop3A_839 = arith.constant 1 : i32
      scf.for %parallel_loop3A_841 = %parallel_loop3A_837 to %parallel_loop3A_838 step %parallel_loop3A_839  : i32 {
        %parallel_loop3A_842 = arith.constant 16 : i32
        %parallel_loop3A_843 = arith.muli %parallel_loop3A_841, %parallel_loop3A_842 : i32
        %parallel_loop3A_844 = arith.index_cast %parallel_loop3A_843 : i32 to index
        %parallel_loop3A_845 = tpu.vector_load %arg5[%parallel_loop3A_844] {strides = array<i32>} : memref<32768xf32, #tpu.memory_space<vmem>>, vector<16xf32>,
        %parallel_loop3A_846 = arith.constant -4.000000e+00 : f32
        %parallel_loop3A_847 = vector.broadcast %parallel_loop3A_846 : f32 to vector<16xf32>
        %parallel_loop3A_848 = arith.maximumf %parallel_loop3A_845, %parallel_loop3A_847 : vector<16xf32>
        %parallel_loop3A_849 = arith.constant 4.000000e+00 : f32
        %parallel_loop3A_850 = vector.broadcast %parallel_loop3A_849 : f32 to vector<16xf32>
        %parallel_loop3A_851 = arith.addf %parallel_loop3A_848, %parallel_loop3A_850 : vector<16xf32>
        %parallel_loop3A_852 = arith.constant 3.200000e+01 : f32
        %parallel_loop3A_853 = vector.broadcast %parallel_loop3A_852 : f32 to vector<16xf32>
        %parallel_loop3A_854 = arith.mulf %parallel_loop3A_851, %parallel_loop3A_853 : vector<16xf32>
        %parallel_loop3A_855 = arith.constant 2.550000e+02 : f32
        %parallel_loop3A_856 = vector.broadcast %parallel_loop3A_855 : f32 to vector<16xf32>
        %parallel_loop3A_857 = arith.minimumf %parallel_loop3A_854, %parallel_loop3A_856 : vector<16xf32>
        %parallel_loop3A_858 = arith.fptosi %parallel_loop3A_857 : vector<16xf32> to vector<16xi32>
        %parallel_loop3A_859 = arith.addi %parallel_loop3A_858, %mul3A_8 : vector<16xi32>
        tpu.vector_store_idx %arg6[%parallel_loop3A_859], %broadcast_in_dim3A_5 {add = true} : memref<4112xf32, #tpu.memory_space<vmem>>[vector<16xi32>], vector<16xf32>,
      } {sc.loop_unroll_factor = 8 : i64, sc.parallel_access}
      %scan3A_840 = arith.constant 0 : i32
      scf.yield %scan3A_840 : i32
    }
    %scan3A_22 = arith.constant 8 : i32
    %get3A = arith.constant 0 : index
    %get3A_23 = tpu.vector_load %arg6[%get3A] {strides = array<i32>} : memref<4112xf32, #tpu.memory_space<vmem>>, vector<16xf32>,
    %get3A_24 = arith.constant 257 : index
    %get3A_25 = tpu.vector_load %arg6[%get3A_24] {strides = array<i32>} : memref<4112xf32, #tpu.memory_space<vmem>>, vector<16xf32>,
    %add3A_26 = arith.addf %get3A_23, %get3A_25 : vector<16xf32>
    %get3A_27 = arith.constant 514 : index
    %get3A_28 = tpu.vector_load %arg6[%get3A_27] {strides = array<i32>} : memref<4112xf32, #tpu.memory_space<vmem>>, vector<16xf32>,
    %add3A_29 = arith.addf %add3A_26, %get3A_28 : vector<16xf32>
    %get3A_30 = arith.constant 771 : index
    %get3A_31 = tpu.vector_load %arg6[%get3A_30] {strides = array<i32>} : memref<4112xf32, #tpu.memory_space<vmem>>, vector<16xf32>,
    %add3A_32 = arith.addf %add3A_29, %get3A_31 : vector<16xf32>
    %get3A_33 = arith.constant 1028 : index
    %get3A_34 = tpu.vector_load %arg6[%get3A_33] {strides = array<i32>} : memref<4112xf32, #tpu.memory_space<vmem>>, vector<16xf32>,
    %add3A_35 = arith.addf %add3A_32, %get3A_34 : vector<16xf32>
    %get3A_36 = arith.constant 1285 : index
    %get3A_37 = tpu.vector_load %arg6[%get3A_36] {strides = array<i32>} : memref<4112xf32, #tpu.memory_space<vmem>>, vector<16xf32>,
    %add3A_38 = arith.addf %add3A_35, %get3A_37 : vector<16xf32>
    %get3A_39 = arith.constant 1542 : index
    %get3A_40 = tpu.vector_load %arg6[%get3A_39] {strides = array<i32>} : memref<4112xf32, #tpu.memory_space<vmem>>, vector<16xf32>,
    %add3A_41 = arith.addf %add3A_38, %get3A_40 : vector<16xf32>
    %get3A_42 = arith.constant 1799 : index
    %get3A_43 = tpu.vector_load %arg6[%get3A_42] {strides = array<i32>} : memref<4112xf32, #tpu.memory_space<vmem>>, vector<16xf32>,
    %add3A_44 = arith.addf %add3A_41, %get3A_43 : vector<16xf32>
    %get3A_45 = arith.constant 2056 : index
    %get3A_46 = tpu.vector_load %arg6[%get3A_45] {strides = array<i32>} : memref<4112xf32, #tpu.memory_space<vmem>>, vector<16xf32>,
    %add3A_47 = arith.addf %add3A_44, %get3A_46 : vector<16xf32>
    %get3A_48 = arith.constant 2313 : index
    %get3A_49 = tpu.vector_load %arg6[%get3A_48] {strides = array<i32>} : memref<4112xf32, #tpu.memory_space<vmem>>, vector<16xf32>,
    %add3A_50 = arith.addf %add3A_47, %get3A_49 : vector<16xf32>
    %get3A_51 = arith.constant 2570 : index
    %get3A_52 = tpu.vector_load %arg6[%get3A_51] {strides = array<i32>} : memref<4112xf32, #tpu.memory_space<vmem>>, vector<16xf32>,
    %add3A_53 = arith.addf %add3A_50, %get3A_52 : vector<16xf32>
    %get3A_54 = arith.constant 2827 : index
    %get3A_55 = tpu.vector_load %arg6[%get3A_54] {strides = array<i32>} : memref<4112xf32, #tpu.memory_space<vmem>>, vector<16xf32>,
    %add3A_56 = arith.addf %add3A_53, %get3A_55 : vector<16xf32>
    %get3A_57 = arith.constant 3084 : index
    %get3A_58 = tpu.vector_load %arg6[%get3A_57] {strides = array<i32>} : memref<4112xf32, #tpu.memory_space<vmem>>, vector<16xf32>,
    %add3A_59 = arith.addf %add3A_56, %get3A_58 : vector<16xf32>
    %get3A_60 = arith.constant 3341 : index
    %get3A_61 = tpu.vector_load %arg6[%get3A_60] {strides = array<i32>} : memref<4112xf32, #tpu.memory_space<vmem>>, vector<16xf32>,
    %add3A_62 = arith.addf %add3A_59, %get3A_61 : vector<16xf32>
    %get3A_63 = arith.constant 3598 : index
    %get3A_64 = tpu.vector_load %arg6[%get3A_63] {strides = array<i32>} : memref<4112xf32, #tpu.memory_space<vmem>>, vector<16xf32>,
    %add3A_65 = arith.addf %add3A_62, %get3A_64 : vector<16xf32>
    %get3A_66 = arith.constant 3855 : index
    %get3A_67 = tpu.vector_load %arg6[%get3A_66] {strides = array<i32>} : memref<4112xf32, #tpu.memory_space<vmem>>, vector<16xf32>,
    %add3A_68 = arith.addf %add3A_65, %get3A_67 : vector<16xf32>
    %swap3A = arith.constant 0 : index
    %swap3A_69 = tpu.vector_load %arg7[%swap3A] {strides = array<i32>} : memref<256xf32, #tpu.memory_space<vmem>>, vector<16xf32>,
    tpu.vector_store %arg7[%swap3A], %add3A_68 {strides = array<i32>} : memref<256xf32, #tpu.memory_space<vmem>>, vector<16xf32>,
    %get3A_70 = arith.constant 16 : index
    %get3A_71 = tpu.vector_load %arg6[%get3A_70] {strides = array<i32>} : memref<4112xf32, #tpu.memory_space<vmem>>, vector<16xf32>,
    %get3A_72 = arith.constant 273 : index
    %get3A_73 = tpu.vector_load %arg6[%get3A_72] {strides = array<i32>} : memref<4112xf32, #tpu.memory_space<vmem>>, vector<16xf32>,
    %add3A_74 = arith.addf %get3A_71, %get3A_73 : vector<16xf32>
    %get3A_75 = arith.constant 530 : index
    %get3A_76 = tpu.vector_load %arg6[%get3A_75] {strides = array<i32>} : memref<4112xf32, #tpu.memory_space<vmem>>, vector<16xf32>,
    %add3A_77 = arith.addf %add3A_74, %get3A_76 : vector<16xf32>
    %get3A_78 = arith.constant 787 : index
    %get3A_79 = tpu.vector_load %arg6[%get3A_78] {strides = array<i32>} : memref<4112xf32, #tpu.memory_space<vmem>>, vector<16xf32>,
    %add3A_80 = arith.addf %add3A_77, %get3A_79 : vector<16xf32>
    %get3A_81 = arith.constant 1044 : index
    %get3A_82 = tpu.vector_load %arg6[%get3A_81] {strides = array<i32>} : memref<4112xf32, #tpu.memory_space<vmem>>, vector<16xf32>,
    %add3A_83 = arith.addf %add3A_80, %get3A_82 : vector<16xf32>
    %get3A_84 = arith.constant 1301 : index
    %get3A_85 = tpu.vector_load %arg6[%get3A_84] {strides = array<i32>} : memref<4112xf32, #tpu.memory_space<vmem>>, vector<16xf32>,
    %add3A_86 = arith.addf %add3A_83, %get3A_85 : vector<16xf32>
    %get3A_87 = arith.constant 1558 : index
    %get3A_88 = tpu.vector_load %arg6[%get3A_87] {strides = array<i32>} : memref<4112xf32, #tpu.memory_space<vmem>>, vector<16xf32>,
    %add3A_89 = arith.addf %add3A_86, %get3A_88 : vector<16xf32>
    %get3A_90 = arith.constant 1815 : index
    %get3A_91 = tpu.vector_load %arg6[%get3A_90] {strides = array<i32>} : memref<4112xf32, #tpu.memory_space<vmem>>, vector<16xf32>,
    %add3A_92 = arith.addf %add3A_89, %get3A_91 : vector<16xf32>
    %get3A_93 = arith.constant 2072 : index
    %get3A_94 = tpu.vector_load %arg6[%get3A_93] {strides = array<i32>} : memref<4112xf32, #tpu.memory_space<vmem>>, vector<16xf32>,
    %add3A_95 = arith.addf %add3A_92, %get3A_94 : vector<16xf32>
    %get3A_96 = arith.constant 2329 : index
    %get3A_97 = tpu.vector_load %arg6[%get3A_96] {strides = array<i32>} : memref<4112xf32, #tpu.memory_space<vmem>>, vector<16xf32>,
    %add3A_98 = arith.addf %add3A_95, %get3A_97 : vector<16xf32>
    %get3A_99 = arith.constant 2586 : index
    %get3A_100 = tpu.vector_load %arg6[%get3A_99] {strides = array<i32>} : memref<4112xf32, #tpu.memory_space<vmem>>, vector<16xf32>,
    %add3A_101 = arith.addf %add3A_98, %get3A_100 : vector<16xf32>
    %get3A_102 = arith.constant 2843 : index
    %get3A_103 = tpu.vector_load %arg6[%get3A_102] {strides = array<i32>} : memref<4112xf32, #tpu.memory_space<vmem>>, vector<16xf32>,
    %add3A_104 = arith.addf %add3A_101, %get3A_103 : vector<16xf32>
    %get3A_105 = arith.constant 3100 : index
    %get3A_106 = tpu.vector_load %arg6[%get3A_105] {strides = array<i32>} : memref<4112xf32, #tpu.memory_space<vmem>>, vector<16xf32>,
    %add3A_107 = arith.addf %add3A_104, %get3A_106 : vector<16xf32>
    %get3A_108 = arith.constant 3357 : index
    %get3A_109 = tpu.vector_load %arg6[%get3A_108] {strides = array<i32>} : memref<4112xf32, #tpu.memory_space<vmem>>, vector<16xf32>,
    %add3A_110 = arith.addf %add3A_107, %get3A_109 : vector<16xf32>
    %get3A_111 = arith.constant 3614 : index
    %get3A_112 = tpu.vector_load %arg6[%get3A_111] {strides = array<i32>} : memref<4112xf32, #tpu.memory_space<vmem>>, vector<16xf32>,
    %add3A_113 = arith.addf %add3A_110, %get3A_112 : vector<16xf32>
    %get3A_114 = arith.constant 3871 : index
    %get3A_115 = tpu.vector_load %arg6[%get3A_114] {strides = array<i32>} : memref<4112xf32, #tpu.memory_space<vmem>>, vector<16xf32>,
    %add3A_116 = arith.addf %add3A_113, %get3A_115 : vector<16xf32>
    %swap3A_117 = arith.constant 16 : index
    %swap3A_118 = tpu.vector_load %arg7[%swap3A_117] {strides = array<i32>} : memref<256xf32, #tpu.memory_space<vmem>>, vector<16xf32>,
    tpu.vector_store %arg7[%swap3A_117], %add3A_116 {strides = array<i32>} : memref<256xf32, #tpu.memory_space<vmem>>, vector<16xf32>,
    %get3A_119 = arith.constant 32 : index
    %get3A_120 = tpu.vector_load %arg6[%get3A_119] {strides = array<i32>} : memref<4112xf32, #tpu.memory_space<vmem>>, vector<16xf32>,
    %get3A_121 = arith.constant 289 : index
    %get3A_122 = tpu.vector_load %arg6[%get3A_121] {strides = array<i32>} : memref<4112xf32, #tpu.memory_space<vmem>>, vector<16xf32>,
    %add3A_123 = arith.addf %get3A_120, %get3A_122 : vector<16xf32>
    %get3A_124 = arith.constant 546 : index
    %get3A_125 = tpu.vector_load %arg6[%get3A_124] {strides = array<i32>} : memref<4112xf32, #tpu.memory_space<vmem>>, vector<16xf32>,
    %add3A_126 = arith.addf %add3A_123, %get3A_125 : vector<16xf32>
    %get3A_127 = arith.constant 803 : index
    %get3A_128 = tpu.vector_load %arg6[%get3A_127] {strides = array<i32>} : memref<4112xf32, #tpu.memory_space<vmem>>, vector<16xf32>,
    %add3A_129 = arith.addf %add3A_126, %get3A_128 : vector<16xf32>
    %get3A_130 = arith.constant 1060 : index
    %get3A_131 = tpu.vector_load %arg6[%get3A_130] {strides = array<i32>} : memref<4112xf32, #tpu.memory_space<vmem>>, vector<16xf32>,
    %add3A_132 = arith.addf %add3A_129, %get3A_131 : vector<16xf32>
    %get3A_133 = arith.constant 1317 : index
    %get3A_134 = tpu.vector_load %arg6[%get3A_133] {strides = array<i32>} : memref<4112xf32, #tpu.memory_space<vmem>>, vector<16xf32>,
    %add3A_135 = arith.addf %add3A_132, %get3A_134 : vector<16xf32>
    %get3A_136 = arith.constant 1574 : index
    %get3A_137 = tpu.vector_load %arg6[%get3A_136] {strides = array<i32>} : memref<4112xf32, #tpu.memory_space<vmem>>, vector<16xf32>,
    %add3A_138 = arith.addf %add3A_135, %get3A_137 : vector<16xf32>
    %get3A_139 = arith.constant 1831 : index
    %get3A_140 = tpu.vector_load %arg6[%get3A_139] {strides = array<i32>} : memref<4112xf32, #tpu.memory_space<vmem>>, vector<16xf32>,
    %add3A_141 = arith.addf %add3A_138, %get3A_140 : vector<16xf32>
    %get3A_142 = arith.constant 2088 : index
    %get3A_143 = tpu.vector_load %arg6[%get3A_142] {strides = array<i32>} : memref<4112xf32, #tpu.memory_space<vmem>>, vector<16xf32>,
    %add3A_144 = arith.addf %add3A_141, %get3A_143 : vector<16xf32>
    %get3A_145 = arith.constant 2345 : index
    %get3A_146 = tpu.vector_load %arg6[%get3A_145] {strides = array<i32>} : memref<4112xf32, #tpu.memory_space<vmem>>, vector<16xf32>,
    %add3A_147 = arith.addf %add3A_144, %get3A_146 : vector<16xf32>
    %get3A_148 = arith.constant 2602 : index
    %get3A_149 = tpu.vector_load %arg6[%get3A_148] {strides = array<i32>} : memref<4112xf32, #tpu.memory_space<vmem>>, vector<16xf32>,
    %add3A_150 = arith.addf %add3A_147, %get3A_149 : vector<16xf32>
    %get3A_151 = arith.constant 2859 : index
    %get3A_152 = tpu.vector_load %arg6[%get3A_151] {strides = array<i32>} : memref<4112xf32, #tpu.memory_space<vmem>>, vector<16xf32>,
    %add3A_153 = arith.addf %add3A_150, %get3A_152 : vector<16xf32>
    %get3A_154 = arith.constant 3116 : index
    %get3A_155 = tpu.vector_load %arg6[%get3A_154] {strides = array<i32>} : memref<4112xf32, #tpu.memory_space<vmem>>, vector<16xf32>,
    %add3A_156 = arith.addf %add3A_153, %get3A_155 : vector<16xf32>
    %get3A_157 = arith.constant 3373 : index
    %get3A_158 = tpu.vector_load %arg6[%get3A_157] {strides = array<i32>} : memref<4112xf32, #tpu.memory_space<vmem>>, vector<16xf32>,
    %add3A_159 = arith.addf %add3A_156, %get3A_158 : vector<16xf32>
    %get3A_160 = arith.constant 3630 : index
    %get3A_161 = tpu.vector_load %arg6[%get3A_160] {strides = array<i32>} : memref<4112xf32, #tpu.memory_space<vmem>>, vector<16xf32>,
    %add3A_162 = arith.addf %add3A_159, %get3A_161 : vector<16xf32>
    %get3A_163 = arith.constant 3887 : index
    %get3A_164 = tpu.vector_load %arg6[%get3A_163] {strides = array<i32>} : memref<4112xf32, #tpu.memory_space<vmem>>, vector<16xf32>,
    %add3A_165 = arith.addf %add3A_162, %get3A_164 : vector<16xf32>
    %swap3A_166 = arith.constant 32 : index
    %swap3A_167 = tpu.vector_load %arg7[%swap3A_166] {strides = array<i32>} : memref<256xf32, #tpu.memory_space<vmem>>, vector<16xf32>,
    tpu.vector_store %arg7[%swap3A_166], %add3A_165 {strides = array<i32>} : memref<256xf32, #tpu.memory_space<vmem>>, vector<16xf32>,
    %get3A_168 = arith.constant 48 : index
    %get3A_169 = tpu.vector_load %arg6[%get3A_168] {strides = array<i32>} : memref<4112xf32, #tpu.memory_space<vmem>>, vector<16xf32>,
    %get3A_170 = arith.constant 305 : index
    %get3A_171 = tpu.vector_load %arg6[%get3A_170] {strides = array<i32>} : memref<4112xf32, #tpu.memory_space<vmem>>, vector<16xf32>,
    %add3A_172 = arith.addf %get3A_169, %get3A_171 : vector<16xf32>
    %get3A_173 = arith.constant 562 : index
    %get3A_174 = tpu.vector_load %arg6[%get3A_173] {strides = array<i32>} : memref<4112xf32, #tpu.memory_space<vmem>>, vector<16xf32>,
    %add3A_175 = arith.addf %add3A_172, %get3A_174 : vector<16xf32>
    %get3A_176 = arith.constant 819 : index
    %get3A_177 = tpu.vector_load %arg6[%get3A_176] {strides = array<i32>} : memref<4112xf32, #tpu.memory_space<vmem>>, vector<16xf32>,
    %add3A_178 = arith.addf %add3A_175, %get3A_177 : vector<16xf32>
    %get3A_179 = arith.constant 1076 : index
    %get3A_180 = tpu.vector_load %arg6[%get3A_179] {strides = array<i32>} : memref<4112xf32, #tpu.memory_space<vmem>>, vector<16xf32>,
    %add3A_181 = arith.addf %add3A_178, %get3A_180 : vector<16xf32>
    %get3A_182 = arith.constant 1333 : index
    %get3A_183 = tpu.vector_load %arg6[%get3A_182] {strides = array<i32>} : memref<4112xf32, #tpu.memory_space<vmem>>, vector<16xf32>,
    %add3A_184 = arith.addf %add3A_181, %get3A_183 : vector<16xf32>
    %get3A_185 = arith.constant 1590 : index
    %get3A_186 = tpu.vector_load %arg6[%get3A_185] {strides = array<i32>} : memref<4112xf32, #tpu.memory_space<vmem>>, vector<16xf32>,
    %add3A_187 = arith.addf %add3A_184, %get3A_186 : vector<16xf32>
    %get3A_188 = arith.constant 1847 : index
    %get3A_189 = tpu.vector_load %arg6[%get3A_188] {strides = array<i32>} : memref<4112xf32, #tpu.memory_space<vmem>>, vector<16xf32>,
    %add3A_190 = arith.addf %add3A_187, %get3A_189 : vector<16xf32>
    %get3A_191 = arith.constant 2104 : index
    %get3A_192 = tpu.vector_load %arg6[%get3A_191] {strides = array<i32>} : memref<4112xf32, #tpu.memory_space<vmem>>, vector<16xf32>,
    %add3A_193 = arith.addf %add3A_190, %get3A_192 : vector<16xf32>
    %get3A_194 = arith.constant 2361 : index
    %get3A_195 = tpu.vector_load %arg6[%get3A_194] {strides = array<i32>} : memref<4112xf32, #tpu.memory_space<vmem>>, vector<16xf32>,
    %add3A_196 = arith.addf %add3A_193, %get3A_195 : vector<16xf32>
    %get3A_197 = arith.constant 2618 : index
    %get3A_198 = tpu.vector_load %arg6[%get3A_197] {strides = array<i32>} : memref<4112xf32, #tpu.memory_space<vmem>>, vector<16xf32>,
    %add3A_199 = arith.addf %add3A_196, %get3A_198 : vector<16xf32>
    %get3A_200 = arith.constant 2875 : index
    %get3A_201 = tpu.vector_load %arg6[%get3A_200] {strides = array<i32>} : memref<4112xf32, #tpu.memory_space<vmem>>, vector<16xf32>,
    %add3A_202 = arith.addf %add3A_199, %get3A_201 : vector<16xf32>
    %get3A_203 = arith.constant 3132 : index
    %get3A_204 = tpu.vector_load %arg6[%get3A_203] {strides = array<i32>} : memref<4112xf32, #tpu.memory_space<vmem>>, vector<16xf32>,
    %add3A_205 = arith.addf %add3A_202, %get3A_204 : vector<16xf32>
    %get3A_206 = arith.constant 3389 : index
    %get3A_207 = tpu.vector_load %arg6[%get3A_206] {strides = array<i32>} : memref<4112xf32, #tpu.memory_space<vmem>>, vector<16xf32>,
    %add3A_208 = arith.addf %add3A_205, %get3A_207 : vector<16xf32>
    %get3A_209 = arith.constant 3646 : index
    %get3A_210 = tpu.vector_load %arg6[%get3A_209] {strides = array<i32>} : memref<4112xf32, #tpu.memory_space<vmem>>, vector<16xf32>,
    %add3A_211 = arith.addf %add3A_208, %get3A_210 : vector<16xf32>
    %get3A_212 = arith.constant 3903 : index
    %get3A_213 = tpu.vector_load %arg6[%get3A_212] {strides = array<i32>} : memref<4112xf32, #tpu.memory_space<vmem>>, vector<16xf32>,
    %add3A_214 = arith.addf %add3A_211, %get3A_213 : vector<16xf32>
    %swap3A_215 = arith.constant 48 : index
    %swap3A_216 = tpu.vector_load %arg7[%swap3A_215] {strides = array<i32>} : memref<256xf32, #tpu.memory_space<vmem>>, vector<16xf32>,
    tpu.vector_store %arg7[%swap3A_215], %add3A_214 {strides = array<i32>} : memref<256xf32, #tpu.memory_space<vmem>>, vector<16xf32>,
    %get3A_217 = arith.constant 64 : index
    %get3A_218 = tpu.vector_load %arg6[%get3A_217] {strides = array<i32>} : memref<4112xf32, #tpu.memory_space<vmem>>, vector<16xf32>,
    %get3A_219 = arith.constant 321 : index
    %get3A_220 = tpu.vector_load %arg6[%get3A_219] {strides = array<i32>} : memref<4112xf32, #tpu.memory_space<vmem>>, vector<16xf32>,
    %add3A_221 = arith.addf %get3A_218, %get3A_220 : vector<16xf32>
    %get3A_222 = arith.constant 578 : index
    %get3A_223 = tpu.vector_load %arg6[%get3A_222] {strides = array<i32>} : memref<4112xf32, #tpu.memory_space<vmem>>, vector<16xf32>,
    %add3A_224 = arith.addf %add3A_221, %get3A_223 : vector<16xf32>
    %get3A_225 = arith.constant 835 : index
    %get3A_226 = tpu.vector_load %arg6[%get3A_225] {strides = array<i32>} : memref<4112xf32, #tpu.memory_space<vmem>>, vector<16xf32>,
    %add3A_227 = arith.addf %add3A_224, %get3A_226 : vector<16xf32>
    %get3A_228 = arith.constant 1092 : index
    %get3A_229 = tpu.vector_load %arg6[%get3A_228] {strides = array<i32>} : memref<4112xf32, #tpu.memory_space<vmem>>, vector<16xf32>,
    %add3A_230 = arith.addf %add3A_227, %get3A_229 : vector<16xf32>
    %get3A_231 = arith.constant 1349 : index
    %get3A_232 = tpu.vector_load %arg6[%get3A_231] {strides = array<i32>} : memref<4112xf32, #tpu.memory_space<vmem>>, vector<16xf32>,
    %add3A_233 = arith.addf %add3A_230, %get3A_232 : vector<16xf32>
    %get3A_234 = arith.constant 1606 : index
    %get3A_235 = tpu.vector_load %arg6[%get3A_234] {strides = array<i32>} : memref<4112xf32, #tpu.memory_space<vmem>>, vector<16xf32>,
    %add3A_236 = arith.addf %add3A_233, %get3A_235 : vector<16xf32>
    %get3A_237 = arith.constant 1863 : index
    %get3A_238 = tpu.vector_load %arg6[%get3A_237] {strides = array<i32>} : memref<4112xf32, #tpu.memory_space<vmem>>, vector<16xf32>,
    %add3A_239 = arith.addf %add3A_236, %get3A_238 : vector<16xf32>
    %get3A_240 = arith.constant 2120 : index
    %get3A_241 = tpu.vector_load %arg6[%get3A_240] {strides = array<i32>} : memref<4112xf32, #tpu.memory_space<vmem>>, vector<16xf32>,
    %add3A_242 = arith.addf %add3A_239, %get3A_241 : vector<16xf32>
    %get3A_243 = arith.constant 2377 : index
    %get3A_244 = tpu.vector_load %arg6[%get3A_243] {strides = array<i32>} : memref<4112xf32, #tpu.memory_space<vmem>>, vector<16xf32>,
    %add3A_245 = arith.addf %add3A_242, %get3A_244 : vector<16xf32>
    %get3A_246 = arith.constant 2634 : index
    %get3A_247 = tpu.vector_load %arg6[%get3A_246] {strides = array<i32>} : memref<4112xf32, #tpu.memory_space<vmem>>, vector<16xf32>,
    %add3A_248 = arith.addf %add3A_245, %get3A_247 : vector<16xf32>
    %get3A_249 = arith.constant 2891 : index
    %get3A_250 = tpu.vector_load %arg6[%get3A_249] {strides = array<i32>} : memref<4112xf32, #tpu.memory_space<vmem>>, vector<16xf32>,
    %add3A_251 = arith.addf %add3A_248, %get3A_250 : vector<16xf32>
    %get3A_252 = arith.constant 3148 : index
    %get3A_253 = tpu.vector_load %arg6[%get3A_252] {strides = array<i32>} : memref<4112xf32, #tpu.memory_space<vmem>>, vector<16xf32>,
    %add3A_254 = arith.addf %add3A_251, %get3A_253 : vector<16xf32>
    %get3A_255 = arith.constant 3405 : index
    %get3A_256 = tpu.vector_load %arg6[%get3A_255] {strides = array<i32>} : memref<4112xf32, #tpu.memory_space<vmem>>, vector<16xf32>,
    %add3A_257 = arith.addf %add3A_254, %get3A_256 : vector<16xf32>
    %get3A_258 = arith.constant 3662 : index
    %get3A_259 = tpu.vector_load %arg6[%get3A_258] {strides = array<i32>} : memref<4112xf32, #tpu.memory_space<vmem>>, vector<16xf32>,
    %add3A_260 = arith.addf %add3A_257, %get3A_259 : vector<16xf32>
    %get3A_261 = arith.constant 3919 : index
    %get3A_262 = tpu.vector_load %arg6[%get3A_261] {strides = array<i32>} : memref<4112xf32, #tpu.memory_space<vmem>>, vector<16xf32>,
    %add3A_263 = arith.addf %add3A_260, %get3A_262 : vector<16xf32>
    %swap3A_264 = arith.constant 64 : index
    %swap3A_265 = tpu.vector_load %arg7[%swap3A_264] {strides = array<i32>} : memref<256xf32, #tpu.memory_space<vmem>>, vector<16xf32>,
    tpu.vector_store %arg7[%swap3A_264], %add3A_263 {strides = array<i32>} : memref<256xf32, #tpu.memory_space<vmem>>, vector<16xf32>,
    %get3A_266 = arith.constant 80 : index
    %get3A_267 = tpu.vector_load %arg6[%get3A_266] {strides = array<i32>} : memref<4112xf32, #tpu.memory_space<vmem>>, vector<16xf32>,
    %get3A_268 = arith.constant 337 : index
    %get3A_269 = tpu.vector_load %arg6[%get3A_268] {strides = array<i32>} : memref<4112xf32, #tpu.memory_space<vmem>>, vector<16xf32>,
    %add3A_270 = arith.addf %get3A_267, %get3A_269 : vector<16xf32>
    %get3A_271 = arith.constant 594 : index
    %get3A_272 = tpu.vector_load %arg6[%get3A_271] {strides = array<i32>} : memref<4112xf32, #tpu.memory_space<vmem>>, vector<16xf32>,
    %add3A_273 = arith.addf %add3A_270, %get3A_272 : vector<16xf32>
    %get3A_274 = arith.constant 851 : index
    %get3A_275 = tpu.vector_load %arg6[%get3A_274] {strides = array<i32>} : memref<4112xf32, #tpu.memory_space<vmem>>, vector<16xf32>,
    %add3A_276 = arith.addf %add3A_273, %get3A_275 : vector<16xf32>
    %get3A_277 = arith.constant 1108 : index
    %get3A_278 = tpu.vector_load %arg6[%get3A_277] {strides = array<i32>} : memref<4112xf32, #tpu.memory_space<vmem>>, vector<16xf32>,
    %add3A_279 = arith.addf %add3A_276, %get3A_278 : vector<16xf32>
    %get3A_280 = arith.constant 1365 : index
    %get3A_281 = tpu.vector_load %arg6[%get3A_280] {strides = array<i32>} : memref<4112xf32, #tpu.memory_space<vmem>>, vector<16xf32>,
    %add3A_282 = arith.addf %add3A_279, %get3A_281 : vector<16xf32>
    %get3A_283 = arith.constant 1622 : index
    %get3A_284 = tpu.vector_load %arg6[%get3A_283] {strides = array<i32>} : memref<4112xf32, #tpu.memory_space<vmem>>, vector<16xf32>,
    %add3A_285 = arith.addf %add3A_282, %get3A_284 : vector<16xf32>
    %get3A_286 = arith.constant 1879 : index
    %get3A_287 = tpu.vector_load %arg6[%get3A_286] {strides = array<i32>} : memref<4112xf32, #tpu.memory_space<vmem>>, vector<16xf32>,
    %add3A_288 = arith.addf %add3A_285, %get3A_287 : vector<16xf32>
    %get3A_289 = arith.constant 2136 : index
    %get3A_290 = tpu.vector_load %arg6[%get3A_289] {strides = array<i32>} : memref<4112xf32, #tpu.memory_space<vmem>>, vector<16xf32>,
    %add3A_291 = arith.addf %add3A_288, %get3A_290 : vector<16xf32>
    %get3A_292 = arith.constant 2393 : index
    %get3A_293 = tpu.vector_load %arg6[%get3A_292] {strides = array<i32>} : memref<4112xf32, #tpu.memory_space<vmem>>, vector<16xf32>,
    %add3A_294 = arith.addf %add3A_291, %get3A_293 : vector<16xf32>
    %get3A_295 = arith.constant 2650 : index
    %get3A_296 = tpu.vector_load %arg6[%get3A_295] {strides = array<i32>} : memref<4112xf32, #tpu.memory_space<vmem>>, vector<16xf32>,
    %add3A_297 = arith.addf %add3A_294, %get3A_296 : vector<16xf32>
    %get3A_298 = arith.constant 2907 : index
    %get3A_299 = tpu.vector_load %arg6[%get3A_298] {strides = array<i32>} : memref<4112xf32, #tpu.memory_space<vmem>>, vector<16xf32>,
    %add3A_300 = arith.addf %add3A_297, %get3A_299 : vector<16xf32>
    %get3A_301 = arith.constant 3164 : index
    %get3A_302 = tpu.vector_load %arg6[%get3A_301] {strides = array<i32>} : memref<4112xf32, #tpu.memory_space<vmem>>, vector<16xf32>,
    %add3A_303 = arith.addf %add3A_300, %get3A_302 : vector<16xf32>
    %get3A_304 = arith.constant 3421 : index
    %get3A_305 = tpu.vector_load %arg6[%get3A_304] {strides = array<i32>} : memref<4112xf32, #tpu.memory_space<vmem>>, vector<16xf32>,
    %add3A_306 = arith.addf %add3A_303, %get3A_305 : vector<16xf32>
    %get3A_307 = arith.constant 3678 : index
    %get3A_308 = tpu.vector_load %arg6[%get3A_307] {strides = array<i32>} : memref<4112xf32, #tpu.memory_space<vmem>>, vector<16xf32>,
    %add3A_309 = arith.addf %add3A_306, %get3A_308 : vector<16xf32>
    %get3A_310 = arith.constant 3935 : index
    %get3A_311 = tpu.vector_load %arg6[%get3A_310] {strides = array<i32>} : memref<4112xf32, #tpu.memory_space<vmem>>, vector<16xf32>,
    %add3A_312 = arith.addf %add3A_309, %get3A_311 : vector<16xf32>
    %swap3A_313 = arith.constant 80 : index
    %swap3A_314 = tpu.vector_load %arg7[%swap3A_313] {strides = array<i32>} : memref<256xf32, #tpu.memory_space<vmem>>, vector<16xf32>,
    tpu.vector_store %arg7[%swap3A_313], %add3A_312 {strides = array<i32>} : memref<256xf32, #tpu.memory_space<vmem>>, vector<16xf32>,
    %get3A_315 = arith.constant 96 : index
    %get3A_316 = tpu.vector_load %arg6[%get3A_315] {strides = array<i32>} : memref<4112xf32, #tpu.memory_space<vmem>>, vector<16xf32>,
    %get3A_317 = arith.constant 353 : index
    %get3A_318 = tpu.vector_load %arg6[%get3A_317] {strides = array<i32>} : memref<4112xf32, #tpu.memory_space<vmem>>, vector<16xf32>,
    %add3A_319 = arith.addf %get3A_316, %get3A_318 : vector<16xf32>
    %get3A_320 = arith.constant 610 : index
    %get3A_321 = tpu.vector_load %arg6[%get3A_320] {strides = array<i32>} : memref<4112xf32, #tpu.memory_space<vmem>>, vector<16xf32>,
    %add3A_322 = arith.addf %add3A_319, %get3A_321 : vector<16xf32>
    %get3A_323 = arith.constant 867 : index
    %get3A_324 = tpu.vector_load %arg6[%get3A_323] {strides = array<i32>} : memref<4112xf32, #tpu.memory_space<vmem>>, vector<16xf32>,
    %add3A_325 = arith.addf %add3A_322, %get3A_324 : vector<16xf32>
    %get3A_326 = arith.constant 1124 : index
    %get3A_327 = tpu.vector_load %arg6[%get3A_326] {strides = array<i32>} : memref<4112xf32, #tpu.memory_space<vmem>>, vector<16xf32>,
    %add3A_328 = arith.addf %add3A_325, %get3A_327 : vector<16xf32>
    %get3A_329 = arith.constant 1381 : index
    %get3A_330 = tpu.vector_load %arg6[%get3A_329] {strides = array<i32>} : memref<4112xf32, #tpu.memory_space<vmem>>, vector<16xf32>,
    %add3A_331 = arith.addf %add3A_328, %get3A_330 : vector<16xf32>
    %get3A_332 = arith.constant 1638 : index
    %get3A_333 = tpu.vector_load %arg6[%get3A_332] {strides = array<i32>} : memref<4112xf32, #tpu.memory_space<vmem>>, vector<16xf32>,
    %add3A_334 = arith.addf %add3A_331, %get3A_333 : vector<16xf32>
    %get3A_335 = arith.constant 1895 : index
    %get3A_336 = tpu.vector_load %arg6[%get3A_335] {strides = array<i32>} : memref<4112xf32, #tpu.memory_space<vmem>>, vector<16xf32>,
    %add3A_337 = arith.addf %add3A_334, %get3A_336 : vector<16xf32>
    %get3A_338 = arith.constant 2152 : index
    %get3A_339 = tpu.vector_load %arg6[%get3A_338] {strides = array<i32>} : memref<4112xf32, #tpu.memory_space<vmem>>, vector<16xf32>,
    %add3A_340 = arith.addf %add3A_337, %get3A_339 : vector<16xf32>
    %get3A_341 = arith.constant 2409 : index
    %get3A_342 = tpu.vector_load %arg6[%get3A_341] {strides = array<i32>} : memref<4112xf32, #tpu.memory_space<vmem>>, vector<16xf32>,
    %add3A_343 = arith.addf %add3A_340, %get3A_342 : vector<16xf32>
    %get3A_344 = arith.constant 2666 : index
    %get3A_345 = tpu.vector_load %arg6[%get3A_344] {strides = array<i32>} : memref<4112xf32, #tpu.memory_space<vmem>>, vector<16xf32>,
    %add3A_346 = arith.addf %add3A_343, %get3A_345 : vector<16xf32>
    %get3A_347 = arith.constant 2923 : index
    %get3A_348 = tpu.vector_load %arg6[%get3A_347] {strides = array<i32>} : memref<4112xf32, #tpu.memory_space<vmem>>, vector<16xf32>,
    %add3A_349 = arith.addf %add3A_346, %get3A_348 : vector<16xf32>
    %get3A_350 = arith.constant 3180 : index
    %get3A_351 = tpu.vector_load %arg6[%get3A_350] {strides = array<i32>} : memref<4112xf32, #tpu.memory_space<vmem>>, vector<16xf32>,
    %add3A_352 = arith.addf %add3A_349, %get3A_351 : vector<16xf32>
    %get3A_353 = arith.constant 3437 : index
    %get3A_354 = tpu.vector_load %arg6[%get3A_353] {strides = array<i32>} : memref<4112xf32, #tpu.memory_space<vmem>>, vector<16xf32>,
    %add3A_355 = arith.addf %add3A_352, %get3A_354 : vector<16xf32>
    %get3A_356 = arith.constant 3694 : index
    %get3A_357 = tpu.vector_load %arg6[%get3A_356] {strides = array<i32>} : memref<4112xf32, #tpu.memory_space<vmem>>, vector<16xf32>,
    %add3A_358 = arith.addf %add3A_355, %get3A_357 : vector<16xf32>
    %get3A_359 = arith.constant 3951 : index
    %get3A_360 = tpu.vector_load %arg6[%get3A_359] {strides = array<i32>} : memref<4112xf32, #tpu.memory_space<vmem>>, vector<16xf32>,
    %add3A_361 = arith.addf %add3A_358, %get3A_360 : vector<16xf32>
    %swap3A_362 = arith.constant 96 : index
    %swap3A_363 = tpu.vector_load %arg7[%swap3A_362] {strides = array<i32>} : memref<256xf32, #tpu.memory_space<vmem>>, vector<16xf32>,
    tpu.vector_store %arg7[%swap3A_362], %add3A_361 {strides = array<i32>} : memref<256xf32, #tpu.memory_space<vmem>>, vector<16xf32>,
    %get3A_364 = arith.constant 112 : index
    %get3A_365 = tpu.vector_load %arg6[%get3A_364] {strides = array<i32>} : memref<4112xf32, #tpu.memory_space<vmem>>, vector<16xf32>,
    %get3A_366 = arith.constant 369 : index
    %get3A_367 = tpu.vector_load %arg6[%get3A_366] {strides = array<i32>} : memref<4112xf32, #tpu.memory_space<vmem>>, vector<16xf32>,
    %add3A_368 = arith.addf %get3A_365, %get3A_367 : vector<16xf32>
    %get3A_369 = arith.constant 626 : index
    %get3A_370 = tpu.vector_load %arg6[%get3A_369] {strides = array<i32>} : memref<4112xf32, #tpu.memory_space<vmem>>, vector<16xf32>,
    %add3A_371 = arith.addf %add3A_368, %get3A_370 : vector<16xf32>
    %get3A_372 = arith.constant 883 : index
    %get3A_373 = tpu.vector_load %arg6[%get3A_372] {strides = array<i32>} : memref<4112xf32, #tpu.memory_space<vmem>>, vector<16xf32>,
    %add3A_374 = arith.addf %add3A_371, %get3A_373 : vector<16xf32>
    %get3A_375 = arith.constant 1140 : index
    %get3A_376 = tpu.vector_load %arg6[%get3A_375] {strides = array<i32>} : memref<4112xf32, #tpu.memory_space<vmem>>, vector<16xf32>,
    %add3A_377 = arith.addf %add3A_374, %get3A_376 : vector<16xf32>
    %get3A_378 = arith.constant 1397 : index
    %get3A_379 = tpu.vector_load %arg6[%get3A_378] {strides = array<i32>} : memref<4112xf32, #tpu.memory_space<vmem>>, vector<16xf32>,
    %add3A_380 = arith.addf %add3A_377, %get3A_379 : vector<16xf32>
    %get3A_381 = arith.constant 1654 : index
    %get3A_382 = tpu.vector_load %arg6[%get3A_381] {strides = array<i32>} : memref<4112xf32, #tpu.memory_space<vmem>>, vector<16xf32>,
    %add3A_383 = arith.addf %add3A_380, %get3A_382 : vector<16xf32>
    %get3A_384 = arith.constant 1911 : index
    %get3A_385 = tpu.vector_load %arg6[%get3A_384] {strides = array<i32>} : memref<4112xf32, #tpu.memory_space<vmem>>, vector<16xf32>,
    %add3A_386 = arith.addf %add3A_383, %get3A_385 : vector<16xf32>
    %get3A_387 = arith.constant 2168 : index
    %get3A_388 = tpu.vector_load %arg6[%get3A_387] {strides = array<i32>} : memref<4112xf32, #tpu.memory_space<vmem>>, vector<16xf32>,
    %add3A_389 = arith.addf %add3A_386, %get3A_388 : vector<16xf32>
    %get3A_390 = arith.constant 2425 : index
    %get3A_391 = tpu.vector_load %arg6[%get3A_390] {strides = array<i32>} : memref<4112xf32, #tpu.memory_space<vmem>>, vector<16xf32>,
    %add3A_392 = arith.addf %add3A_389, %get3A_391 : vector<16xf32>
    %get3A_393 = arith.constant 2682 : index
    %get3A_394 = tpu.vector_load %arg6[%get3A_393] {strides = array<i32>} : memref<4112xf32, #tpu.memory_space<vmem>>, vector<16xf32>,
    %add3A_395 = arith.addf %add3A_392, %get3A_394 : vector<16xf32>
    %get3A_396 = arith.constant 2939 : index
    %get3A_397 = tpu.vector_load %arg6[%get3A_396] {strides = array<i32>} : memref<4112xf32, #tpu.memory_space<vmem>>, vector<16xf32>,
    %add3A_398 = arith.addf %add3A_395, %get3A_397 : vector<16xf32>
    %get3A_399 = arith.constant 3196 : index
    %get3A_400 = tpu.vector_load %arg6[%get3A_399] {strides = array<i32>} : memref<4112xf32, #tpu.memory_space<vmem>>, vector<16xf32>,
    %add3A_401 = arith.addf %add3A_398, %get3A_400 : vector<16xf32>
    %get3A_402 = arith.constant 3453 : index
    %get3A_403 = tpu.vector_load %arg6[%get3A_402] {strides = array<i32>} : memref<4112xf32, #tpu.memory_space<vmem>>, vector<16xf32>,
    %add3A_404 = arith.addf %add3A_401, %get3A_403 : vector<16xf32>
    %get3A_405 = arith.constant 3710 : index
    %get3A_406 = tpu.vector_load %arg6[%get3A_405] {strides = array<i32>} : memref<4112xf32, #tpu.memory_space<vmem>>, vector<16xf32>,
    %add3A_407 = arith.addf %add3A_404, %get3A_406 : vector<16xf32>
    %get3A_408 = arith.constant 3967 : index
    %get3A_409 = tpu.vector_load %arg6[%get3A_408] {strides = array<i32>} : memref<4112xf32, #tpu.memory_space<vmem>>, vector<16xf32>,
    %add3A_410 = arith.addf %add3A_407, %get3A_409 : vector<16xf32>
    %swap3A_411 = arith.constant 112 : index
    %swap3A_412 = tpu.vector_load %arg7[%swap3A_411] {strides = array<i32>} : memref<256xf32, #tpu.memory_space<vmem>>, vector<16xf32>,
    tpu.vector_store %arg7[%swap3A_411], %add3A_410 {strides = array<i32>} : memref<256xf32, #tpu.memory_space<vmem>>, vector<16xf32>,
    %get3A_413 = arith.constant 128 : index
    %get3A_414 = tpu.vector_load %arg6[%get3A_413] {strides = array<i32>} : memref<4112xf32, #tpu.memory_space<vmem>>, vector<16xf32>,
    %get3A_415 = arith.constant 385 : index
    %get3A_416 = tpu.vector_load %arg6[%get3A_415] {strides = array<i32>} : memref<4112xf32, #tpu.memory_space<vmem>>, vector<16xf32>,
    %add3A_417 = arith.addf %get3A_414, %get3A_416 : vector<16xf32>
    %get3A_418 = arith.constant 642 : index
    %get3A_419 = tpu.vector_load %arg6[%get3A_418] {strides = array<i32>} : memref<4112xf32, #tpu.memory_space<vmem>>, vector<16xf32>,
    %add3A_420 = arith.addf %add3A_417, %get3A_419 : vector<16xf32>
    %get3A_421 = arith.constant 899 : index
    %get3A_422 = tpu.vector_load %arg6[%get3A_421] {strides = array<i32>} : memref<4112xf32, #tpu.memory_space<vmem>>, vector<16xf32>,
    %add3A_423 = arith.addf %add3A_420, %get3A_422 : vector<16xf32>
    %get3A_424 = arith.constant 1156 : index
    %get3A_425 = tpu.vector_load %arg6[%get3A_424] {strides = array<i32>} : memref<4112xf32, #tpu.memory_space<vmem>>, vector<16xf32>,
    %add3A_426 = arith.addf %add3A_423, %get3A_425 : vector<16xf32>
    %get3A_427 = arith.constant 1413 : index
    %get3A_428 = tpu.vector_load %arg6[%get3A_427] {strides = array<i32>} : memref<4112xf32, #tpu.memory_space<vmem>>, vector<16xf32>,
    %add3A_429 = arith.addf %add3A_426, %get3A_428 : vector<16xf32>
    %get3A_430 = arith.constant 1670 : index
    %get3A_431 = tpu.vector_load %arg6[%get3A_430] {strides = array<i32>} : memref<4112xf32, #tpu.memory_space<vmem>>, vector<16xf32>,
    %add3A_432 = arith.addf %add3A_429, %get3A_431 : vector<16xf32>
    %get3A_433 = arith.constant 1927 : index
    %get3A_434 = tpu.vector_load %arg6[%get3A_433] {strides = array<i32>} : memref<4112xf32, #tpu.memory_space<vmem>>, vector<16xf32>,
    %add3A_435 = arith.addf %add3A_432, %get3A_434 : vector<16xf32>
    %get3A_436 = arith.constant 2184 : index
    %get3A_437 = tpu.vector_load %arg6[%get3A_436] {strides = array<i32>} : memref<4112xf32, #tpu.memory_space<vmem>>, vector<16xf32>,
    %add3A_438 = arith.addf %add3A_435, %get3A_437 : vector<16xf32>
    %get3A_439 = arith.constant 2441 : index
    %get3A_440 = tpu.vector_load %arg6[%get3A_439] {strides = array<i32>} : memref<4112xf32, #tpu.memory_space<vmem>>, vector<16xf32>,
    %add3A_441 = arith.addf %add3A_438, %get3A_440 : vector<16xf32>
    %get3A_442 = arith.constant 2698 : index
    %get3A_443 = tpu.vector_load %arg6[%get3A_442] {strides = array<i32>} : memref<4112xf32, #tpu.memory_space<vmem>>, vector<16xf32>,
    %add3A_444 = arith.addf %add3A_441, %get3A_443 : vector<16xf32>
    %get3A_445 = arith.constant 2955 : index
    %get3A_446 = tpu.vector_load %arg6[%get3A_445] {strides = array<i32>} : memref<4112xf32, #tpu.memory_space<vmem>>, vector<16xf32>,
    %add3A_447 = arith.addf %add3A_444, %get3A_446 : vector<16xf32>
    %get3A_448 = arith.constant 3212 : index
    %get3A_449 = tpu.vector_load %arg6[%get3A_448] {strides = array<i32>} : memref<4112xf32, #tpu.memory_space<vmem>>, vector<16xf32>,
    %add3A_450 = arith.addf %add3A_447, %get3A_449 : vector<16xf32>
    %get3A_451 = arith.constant 3469 : index
    %get3A_452 = tpu.vector_load %arg6[%get3A_451] {strides = array<i32>} : memref<4112xf32, #tpu.memory_space<vmem>>, vector<16xf32>,
    %add3A_453 = arith.addf %add3A_450, %get3A_452 : vector<16xf32>
    %get3A_454 = arith.constant 3726 : index
    %get3A_455 = tpu.vector_load %arg6[%get3A_454] {strides = array<i32>} : memref<4112xf32, #tpu.memory_space<vmem>>, vector<16xf32>,
    %add3A_456 = arith.addf %add3A_453, %get3A_455 : vector<16xf32>
    %get3A_457 = arith.constant 3983 : index
    %get3A_458 = tpu.vector_load %arg6[%get3A_457] {strides = array<i32>} : memref<4112xf32, #tpu.memory_space<vmem>>, vector<16xf32>,
    %add3A_459 = arith.addf %add3A_456, %get3A_458 : vector<16xf32>
    %swap3A_460 = arith.constant 128 : index
    %swap3A_461 = tpu.vector_load %arg7[%swap3A_460] {strides = array<i32>} : memref<256xf32, #tpu.memory_space<vmem>>, vector<16xf32>,
    tpu.vector_store %arg7[%swap3A_460], %add3A_459 {strides = array<i32>} : memref<256xf32, #tpu.memory_space<vmem>>, vector<16xf32>,
    %get3A_462 = arith.constant 144 : index
    %get3A_463 = tpu.vector_load %arg6[%get3A_462] {strides = array<i32>} : memref<4112xf32, #tpu.memory_space<vmem>>, vector<16xf32>,
    %get3A_464 = arith.constant 401 : index
    %get3A_465 = tpu.vector_load %arg6[%get3A_464] {strides = array<i32>} : memref<4112xf32, #tpu.memory_space<vmem>>, vector<16xf32>,
    %add3A_466 = arith.addf %get3A_463, %get3A_465 : vector<16xf32>
    %get3A_467 = arith.constant 658 : index
    %get3A_468 = tpu.vector_load %arg6[%get3A_467] {strides = array<i32>} : memref<4112xf32, #tpu.memory_space<vmem>>, vector<16xf32>,
    %add3A_469 = arith.addf %add3A_466, %get3A_468 : vector<16xf32>
    %get3A_470 = arith.constant 915 : index
    %get3A_471 = tpu.vector_load %arg6[%get3A_470] {strides = array<i32>} : memref<4112xf32, #tpu.memory_space<vmem>>, vector<16xf32>,
    %add3A_472 = arith.addf %add3A_469, %get3A_471 : vector<16xf32>
    %get3A_473 = arith.constant 1172 : index
    %get3A_474 = tpu.vector_load %arg6[%get3A_473] {strides = array<i32>} : memref<4112xf32, #tpu.memory_space<vmem>>, vector<16xf32>,
    %add3A_475 = arith.addf %add3A_472, %get3A_474 : vector<16xf32>
    %get3A_476 = arith.constant 1429 : index
    %get3A_477 = tpu.vector_load %arg6[%get3A_476] {strides = array<i32>} : memref<4112xf32, #tpu.memory_space<vmem>>, vector<16xf32>,
    %add3A_478 = arith.addf %add3A_475, %get3A_477 : vector<16xf32>
    %get3A_479 = arith.constant 1686 : index
    %get3A_480 = tpu.vector_load %arg6[%get3A_479] {strides = array<i32>} : memref<4112xf32, #tpu.memory_space<vmem>>, vector<16xf32>,
    %add3A_481 = arith.addf %add3A_478, %get3A_480 : vector<16xf32>
    %get3A_482 = arith.constant 1943 : index
    %get3A_483 = tpu.vector_load %arg6[%get3A_482] {strides = array<i32>} : memref<4112xf32, #tpu.memory_space<vmem>>, vector<16xf32>,
    %add3A_484 = arith.addf %add3A_481, %get3A_483 : vector<16xf32>
    %get3A_485 = arith.constant 2200 : index
    %get3A_486 = tpu.vector_load %arg6[%get3A_485] {strides = array<i32>} : memref<4112xf32, #tpu.memory_space<vmem>>, vector<16xf32>,
    %add3A_487 = arith.addf %add3A_484, %get3A_486 : vector<16xf32>
    %get3A_488 = arith.constant 2457 : index
    %get3A_489 = tpu.vector_load %arg6[%get3A_488] {strides = array<i32>} : memref<4112xf32, #tpu.memory_space<vmem>>, vector<16xf32>,
    %add3A_490 = arith.addf %add3A_487, %get3A_489 : vector<16xf32>
    %get3A_491 = arith.constant 2714 : index
    %get3A_492 = tpu.vector_load %arg6[%get3A_491] {strides = array<i32>} : memref<4112xf32, #tpu.memory_space<vmem>>, vector<16xf32>,
    %add3A_493 = arith.addf %add3A_490, %get3A_492 : vector<16xf32>
    %get3A_494 = arith.constant 2971 : index
    %get3A_495 = tpu.vector_load %arg6[%get3A_494] {strides = array<i32>} : memref<4112xf32, #tpu.memory_space<vmem>>, vector<16xf32>,
    %add3A_496 = arith.addf %add3A_493, %get3A_495 : vector<16xf32>
    %get3A_497 = arith.constant 3228 : index
    %get3A_498 = tpu.vector_load %arg6[%get3A_497] {strides = array<i32>} : memref<4112xf32, #tpu.memory_space<vmem>>, vector<16xf32>,
    %add3A_499 = arith.addf %add3A_496, %get3A_498 : vector<16xf32>
    %get3A_500 = arith.constant 3485 : index
    %get3A_501 = tpu.vector_load %arg6[%get3A_500] {strides = array<i32>} : memref<4112xf32, #tpu.memory_space<vmem>>, vector<16xf32>,
    %add3A_502 = arith.addf %add3A_499, %get3A_501 : vector<16xf32>
    %get3A_503 = arith.constant 3742 : index
    %get3A_504 = tpu.vector_load %arg6[%get3A_503] {strides = array<i32>} : memref<4112xf32, #tpu.memory_space<vmem>>, vector<16xf32>,
    %add3A_505 = arith.addf %add3A_502, %get3A_504 : vector<16xf32>
    %get3A_506 = arith.constant 3999 : index
    %get3A_507 = tpu.vector_load %arg6[%get3A_506] {strides = array<i32>} : memref<4112xf32, #tpu.memory_space<vmem>>, vector<16xf32>,
    %add3A_508 = arith.addf %add3A_505, %get3A_507 : vector<16xf32>
    %swap3A_509 = arith.constant 144 : index
    %swap3A_510 = tpu.vector_load %arg7[%swap3A_509] {strides = array<i32>} : memref<256xf32, #tpu.memory_space<vmem>>, vector<16xf32>,
    tpu.vector_store %arg7[%swap3A_509], %add3A_508 {strides = array<i32>} : memref<256xf32, #tpu.memory_space<vmem>>, vector<16xf32>,
    %get3A_511 = arith.constant 160 : index
    %get3A_512 = tpu.vector_load %arg6[%get3A_511] {strides = array<i32>} : memref<4112xf32, #tpu.memory_space<vmem>>, vector<16xf32>,
    %get3A_513 = arith.constant 417 : index
    %get3A_514 = tpu.vector_load %arg6[%get3A_513] {strides = array<i32>} : memref<4112xf32, #tpu.memory_space<vmem>>, vector<16xf32>,
    %add3A_515 = arith.addf %get3A_512, %get3A_514 : vector<16xf32>
    %get3A_516 = arith.constant 674 : index
    %get3A_517 = tpu.vector_load %arg6[%get3A_516] {strides = array<i32>} : memref<4112xf32, #tpu.memory_space<vmem>>, vector<16xf32>,
    %add3A_518 = arith.addf %add3A_515, %get3A_517 : vector<16xf32>
    %get3A_519 = arith.constant 931 : index
    %get3A_520 = tpu.vector_load %arg6[%get3A_519] {strides = array<i32>} : memref<4112xf32, #tpu.memory_space<vmem>>, vector<16xf32>,
    %add3A_521 = arith.addf %add3A_518, %get3A_520 : vector<16xf32>
    %get3A_522 = arith.constant 1188 : index
    %get3A_523 = tpu.vector_load %arg6[%get3A_522] {strides = array<i32>} : memref<4112xf32, #tpu.memory_space<vmem>>, vector<16xf32>,
    %add3A_524 = arith.addf %add3A_521, %get3A_523 : vector<16xf32>
    %get3A_525 = arith.constant 1445 : index
    %get3A_526 = tpu.vector_load %arg6[%get3A_525] {strides = array<i32>} : memref<4112xf32, #tpu.memory_space<vmem>>, vector<16xf32>,
    %add3A_527 = arith.addf %add3A_524, %get3A_526 : vector<16xf32>
    %get3A_528 = arith.constant 1702 : index
    %get3A_529 = tpu.vector_load %arg6[%get3A_528] {strides = array<i32>} : memref<4112xf32, #tpu.memory_space<vmem>>, vector<16xf32>,
    %add3A_530 = arith.addf %add3A_527, %get3A_529 : vector<16xf32>
    %get3A_531 = arith.constant 1959 : index
    %get3A_532 = tpu.vector_load %arg6[%get3A_531] {strides = array<i32>} : memref<4112xf32, #tpu.memory_space<vmem>>, vector<16xf32>,
    %add3A_533 = arith.addf %add3A_530, %get3A_532 : vector<16xf32>
    %get3A_534 = arith.constant 2216 : index
    %get3A_535 = tpu.vector_load %arg6[%get3A_534] {strides = array<i32>} : memref<4112xf32, #tpu.memory_space<vmem>>, vector<16xf32>,
    %add3A_536 = arith.addf %add3A_533, %get3A_535 : vector<16xf32>
    %get3A_537 = arith.constant 2473 : index
    %get3A_538 = tpu.vector_load %arg6[%get3A_537] {strides = array<i32>} : memref<4112xf32, #tpu.memory_space<vmem>>, vector<16xf32>,
    %add3A_539 = arith.addf %add3A_536, %get3A_538 : vector<16xf32>
    %get3A_540 = arith.constant 2730 : index
    %get3A_541 = tpu.vector_load %arg6[%get3A_540] {strides = array<i32>} : memref<4112xf32, #tpu.memory_space<vmem>>, vector<16xf32>,
    %add3A_542 = arith.addf %add3A_539, %get3A_541 : vector<16xf32>
    %get3A_543 = arith.constant 2987 : index
    %get3A_544 = tpu.vector_load %arg6[%get3A_543] {strides = array<i32>} : memref<4112xf32, #tpu.memory_space<vmem>>, vector<16xf32>,
    %add3A_545 = arith.addf %add3A_542, %get3A_544 : vector<16xf32>
    %get3A_546 = arith.constant 3244 : index
    %get3A_547 = tpu.vector_load %arg6[%get3A_546] {strides = array<i32>} : memref<4112xf32, #tpu.memory_space<vmem>>, vector<16xf32>,
    %add3A_548 = arith.addf %add3A_545, %get3A_547 : vector<16xf32>
    %get3A_549 = arith.constant 3501 : index
    %get3A_550 = tpu.vector_load %arg6[%get3A_549] {strides = array<i32>} : memref<4112xf32, #tpu.memory_space<vmem>>, vector<16xf32>,
    %add3A_551 = arith.addf %add3A_548, %get3A_550 : vector<16xf32>
    %get3A_552 = arith.constant 3758 : index
    %get3A_553 = tpu.vector_load %arg6[%get3A_552] {strides = array<i32>} : memref<4112xf32, #tpu.memory_space<vmem>>, vector<16xf32>,
    %add3A_554 = arith.addf %add3A_551, %get3A_553 : vector<16xf32>
    %get3A_555 = arith.constant 4015 : index
    %get3A_556 = tpu.vector_load %arg6[%get3A_555] {strides = array<i32>} : memref<4112xf32, #tpu.memory_space<vmem>>, vector<16xf32>,
    %add3A_557 = arith.addf %add3A_554, %get3A_556 : vector<16xf32>
    %swap3A_558 = arith.constant 160 : index
    %swap3A_559 = tpu.vector_load %arg7[%swap3A_558] {strides = array<i32>} : memref<256xf32, #tpu.memory_space<vmem>>, vector<16xf32>,
    tpu.vector_store %arg7[%swap3A_558], %add3A_557 {strides = array<i32>} : memref<256xf32, #tpu.memory_space<vmem>>, vector<16xf32>,
    %get3A_560 = arith.constant 176 : index
    %get3A_561 = tpu.vector_load %arg6[%get3A_560] {strides = array<i32>} : memref<4112xf32, #tpu.memory_space<vmem>>, vector<16xf32>,
    %get3A_562 = arith.constant 433 : index
    %get3A_563 = tpu.vector_load %arg6[%get3A_562] {strides = array<i32>} : memref<4112xf32, #tpu.memory_space<vmem>>, vector<16xf32>,
    %add3A_564 = arith.addf %get3A_561, %get3A_563 : vector<16xf32>
    %get3A_565 = arith.constant 690 : index
    %get3A_566 = tpu.vector_load %arg6[%get3A_565] {strides = array<i32>} : memref<4112xf32, #tpu.memory_space<vmem>>, vector<16xf32>,
    %add3A_567 = arith.addf %add3A_564, %get3A_566 : vector<16xf32>
    %get3A_568 = arith.constant 947 : index
    %get3A_569 = tpu.vector_load %arg6[%get3A_568] {strides = array<i32>} : memref<4112xf32, #tpu.memory_space<vmem>>, vector<16xf32>,
    %add3A_570 = arith.addf %add3A_567, %get3A_569 : vector<16xf32>
    %get3A_571 = arith.constant 1204 : index
    %get3A_572 = tpu.vector_load %arg6[%get3A_571] {strides = array<i32>} : memref<4112xf32, #tpu.memory_space<vmem>>, vector<16xf32>,
    %add3A_573 = arith.addf %add3A_570, %get3A_572 : vector<16xf32>
    %get3A_574 = arith.constant 1461 : index
    %get3A_575 = tpu.vector_load %arg6[%get3A_574] {strides = array<i32>} : memref<4112xf32, #tpu.memory_space<vmem>>, vector<16xf32>,
    %add3A_576 = arith.addf %add3A_573, %get3A_575 : vector<16xf32>
    %get3A_577 = arith.constant 1718 : index
    %get3A_578 = tpu.vector_load %arg6[%get3A_577] {strides = array<i32>} : memref<4112xf32, #tpu.memory_space<vmem>>, vector<16xf32>,
    %add3A_579 = arith.addf %add3A_576, %get3A_578 : vector<16xf32>
    %get3A_580 = arith.constant 1975 : index
    %get3A_581 = tpu.vector_load %arg6[%get3A_580] {strides = array<i32>} : memref<4112xf32, #tpu.memory_space<vmem>>, vector<16xf32>,
    %add3A_582 = arith.addf %add3A_579, %get3A_581 : vector<16xf32>
    %get3A_583 = arith.constant 2232 : index
    %get3A_584 = tpu.vector_load %arg6[%get3A_583] {strides = array<i32>} : memref<4112xf32, #tpu.memory_space<vmem>>, vector<16xf32>,
    %add3A_585 = arith.addf %add3A_582, %get3A_584 : vector<16xf32>
    %get3A_586 = arith.constant 2489 : index
    %get3A_587 = tpu.vector_load %arg6[%get3A_586] {strides = array<i32>} : memref<4112xf32, #tpu.memory_space<vmem>>, vector<16xf32>,
    %add3A_588 = arith.addf %add3A_585, %get3A_587 : vector<16xf32>
    %get3A_589 = arith.constant 2746 : index
    %get3A_590 = tpu.vector_load %arg6[%get3A_589] {strides = array<i32>} : memref<4112xf32, #tpu.memory_space<vmem>>, vector<16xf32>,
    %add3A_591 = arith.addf %add3A_588, %get3A_590 : vector<16xf32>
    %get3A_592 = arith.constant 3003 : index
    %get3A_593 = tpu.vector_load %arg6[%get3A_592] {strides = array<i32>} : memref<4112xf32, #tpu.memory_space<vmem>>, vector<16xf32>,
    %add3A_594 = arith.addf %add3A_591, %get3A_593 : vector<16xf32>
    %get3A_595 = arith.constant 3260 : index
    %get3A_596 = tpu.vector_load %arg6[%get3A_595] {strides = array<i32>} : memref<4112xf32, #tpu.memory_space<vmem>>, vector<16xf32>,
    %add3A_597 = arith.addf %add3A_594, %get3A_596 : vector<16xf32>
    %get3A_598 = arith.constant 3517 : index
    %get3A_599 = tpu.vector_load %arg6[%get3A_598] {strides = array<i32>} : memref<4112xf32, #tpu.memory_space<vmem>>, vector<16xf32>,
    %add3A_600 = arith.addf %add3A_597, %get3A_599 : vector<16xf32>
    %get3A_601 = arith.constant 3774 : index
    %get3A_602 = tpu.vector_load %arg6[%get3A_601] {strides = array<i32>} : memref<4112xf32, #tpu.memory_space<vmem>>, vector<16xf32>,
    %add3A_603 = arith.addf %add3A_600, %get3A_602 : vector<16xf32>
    %get3A_604 = arith.constant 4031 : index
    %get3A_605 = tpu.vector_load %arg6[%get3A_604] {strides = array<i32>} : memref<4112xf32, #tpu.memory_space<vmem>>, vector<16xf32>,
    %add3A_606 = arith.addf %add3A_603, %get3A_605 : vector<16xf32>
    %swap3A_607 = arith.constant 176 : index
    %swap3A_608 = tpu.vector_load %arg7[%swap3A_607] {strides = array<i32>} : memref<256xf32, #tpu.memory_space<vmem>>, vector<16xf32>,
    tpu.vector_store %arg7[%swap3A_607], %add3A_606 {strides = array<i32>} : memref<256xf32, #tpu.memory_space<vmem>>, vector<16xf32>,
    %get3A_609 = arith.constant 192 : index
    %get3A_610 = tpu.vector_load %arg6[%get3A_609] {strides = array<i32>} : memref<4112xf32, #tpu.memory_space<vmem>>, vector<16xf32>,
    %get3A_611 = arith.constant 449 : index
    %get3A_612 = tpu.vector_load %arg6[%get3A_611] {strides = array<i32>} : memref<4112xf32, #tpu.memory_space<vmem>>, vector<16xf32>,
    %add3A_613 = arith.addf %get3A_610, %get3A_612 : vector<16xf32>
    %get3A_614 = arith.constant 706 : index
    %get3A_615 = tpu.vector_load %arg6[%get3A_614] {strides = array<i32>} : memref<4112xf32, #tpu.memory_space<vmem>>, vector<16xf32>,
    %add3A_616 = arith.addf %add3A_613, %get3A_615 : vector<16xf32>
    %get3A_617 = arith.constant 963 : index
    %get3A_618 = tpu.vector_load %arg6[%get3A_617] {strides = array<i32>} : memref<4112xf32, #tpu.memory_space<vmem>>, vector<16xf32>,
    %add3A_619 = arith.addf %add3A_616, %get3A_618 : vector<16xf32>
    %get3A_620 = arith.constant 1220 : index
    %get3A_621 = tpu.vector_load %arg6[%get3A_620] {strides = array<i32>} : memref<4112xf32, #tpu.memory_space<vmem>>, vector<16xf32>,
    %add3A_622 = arith.addf %add3A_619, %get3A_621 : vector<16xf32>
    %get3A_623 = arith.constant 1477 : index
    %get3A_624 = tpu.vector_load %arg6[%get3A_623] {strides = array<i32>} : memref<4112xf32, #tpu.memory_space<vmem>>, vector<16xf32>,
    %add3A_625 = arith.addf %add3A_622, %get3A_624 : vector<16xf32>
    %get3A_626 = arith.constant 1734 : index
    %get3A_627 = tpu.vector_load %arg6[%get3A_626] {strides = array<i32>} : memref<4112xf32, #tpu.memory_space<vmem>>, vector<16xf32>,
    %add3A_628 = arith.addf %add3A_625, %get3A_627 : vector<16xf32>
    %get3A_629 = arith.constant 1991 : index
    %get3A_630 = tpu.vector_load %arg6[%get3A_629] {strides = array<i32>} : memref<4112xf32, #tpu.memory_space<vmem>>, vector<16xf32>,
    %add3A_631 = arith.addf %add3A_628, %get3A_630 : vector<16xf32>
    %get3A_632 = arith.constant 2248 : index
    %get3A_633 = tpu.vector_load %arg6[%get3A_632] {strides = array<i32>} : memref<4112xf32, #tpu.memory_space<vmem>>, vector<16xf32>,
    %add3A_634 = arith.addf %add3A_631, %get3A_633 : vector<16xf32>
    %get3A_635 = arith.constant 2505 : index
    %get3A_636 = tpu.vector_load %arg6[%get3A_635] {strides = array<i32>} : memref<4112xf32, #tpu.memory_space<vmem>>, vector<16xf32>,
    %add3A_637 = arith.addf %add3A_634, %get3A_636 : vector<16xf32>
    %get3A_638 = arith.constant 2762 : index
    %get3A_639 = tpu.vector_load %arg6[%get3A_638] {strides = array<i32>} : memref<4112xf32, #tpu.memory_space<vmem>>, vector<16xf32>,
    %add3A_640 = arith.addf %add3A_637, %get3A_639 : vector<16xf32>
    %get3A_641 = arith.constant 3019 : index
    %get3A_642 = tpu.vector_load %arg6[%get3A_641] {strides = array<i32>} : memref<4112xf32, #tpu.memory_space<vmem>>, vector<16xf32>,
    %add3A_643 = arith.addf %add3A_640, %get3A_642 : vector<16xf32>
    %get3A_644 = arith.constant 3276 : index
    %get3A_645 = tpu.vector_load %arg6[%get3A_644] {strides = array<i32>} : memref<4112xf32, #tpu.memory_space<vmem>>, vector<16xf32>,
    %add3A_646 = arith.addf %add3A_643, %get3A_645 : vector<16xf32>
    %get3A_647 = arith.constant 3533 : index
    %get3A_648 = tpu.vector_load %arg6[%get3A_647] {strides = array<i32>} : memref<4112xf32, #tpu.memory_space<vmem>>, vector<16xf32>,
    %add3A_649 = arith.addf %add3A_646, %get3A_648 : vector<16xf32>
    %get3A_650 = arith.constant 3790 : index
    %get3A_651 = tpu.vector_load %arg6[%get3A_650] {strides = array<i32>} : memref<4112xf32, #tpu.memory_space<vmem>>, vector<16xf32>,
    %add3A_652 = arith.addf %add3A_649, %get3A_651 : vector<16xf32>
    %get3A_653 = arith.constant 4047 : index
    %get3A_654 = tpu.vector_load %arg6[%get3A_653] {strides = array<i32>} : memref<4112xf32, #tpu.memory_space<vmem>>, vector<16xf32>,
    %add3A_655 = arith.addf %add3A_652, %get3A_654 : vector<16xf32>
    %swap3A_656 = arith.constant 192 : index
    %swap3A_657 = tpu.vector_load %arg7[%swap3A_656] {strides = array<i32>} : memref<256xf32, #tpu.memory_space<vmem>>, vector<16xf32>,
    tpu.vector_store %arg7[%swap3A_656], %add3A_655 {strides = array<i32>} : memref<256xf32, #tpu.memory_space<vmem>>, vector<16xf32>,
    %get3A_658 = arith.constant 208 : index
    %get3A_659 = tpu.vector_load %arg6[%get3A_658] {strides = array<i32>} : memref<4112xf32, #tpu.memory_space<vmem>>, vector<16xf32>,
    %get3A_660 = arith.constant 465 : index
    %get3A_661 = tpu.vector_load %arg6[%get3A_660] {strides = array<i32>} : memref<4112xf32, #tpu.memory_space<vmem>>, vector<16xf32>,
    %add3A_662 = arith.addf %get3A_659, %get3A_661 : vector<16xf32>
    %get3A_663 = arith.constant 722 : index
    %get3A_664 = tpu.vector_load %arg6[%get3A_663] {strides = array<i32>} : memref<4112xf32, #tpu.memory_space<vmem>>, vector<16xf32>,
    %add3A_665 = arith.addf %add3A_662, %get3A_664 : vector<16xf32>
    %get3A_666 = arith.constant 979 : index
    %get3A_667 = tpu.vector_load %arg6[%get3A_666] {strides = array<i32>} : memref<4112xf32, #tpu.memory_space<vmem>>, vector<16xf32>,
    %add3A_668 = arith.addf %add3A_665, %get3A_667 : vector<16xf32>
    %get3A_669 = arith.constant 1236 : index
    %get3A_670 = tpu.vector_load %arg6[%get3A_669] {strides = array<i32>} : memref<4112xf32, #tpu.memory_space<vmem>>, vector<16xf32>,
    %add3A_671 = arith.addf %add3A_668, %get3A_670 : vector<16xf32>
    %get3A_672 = arith.constant 1493 : index
    %get3A_673 = tpu.vector_load %arg6[%get3A_672] {strides = array<i32>} : memref<4112xf32, #tpu.memory_space<vmem>>, vector<16xf32>,
    %add3A_674 = arith.addf %add3A_671, %get3A_673 : vector<16xf32>
    %get3A_675 = arith.constant 1750 : index
    %get3A_676 = tpu.vector_load %arg6[%get3A_675] {strides = array<i32>} : memref<4112xf32, #tpu.memory_space<vmem>>, vector<16xf32>,
    %add3A_677 = arith.addf %add3A_674, %get3A_676 : vector<16xf32>
    %get3A_678 = arith.constant 2007 : index
    %get3A_679 = tpu.vector_load %arg6[%get3A_678] {strides = array<i32>} : memref<4112xf32, #tpu.memory_space<vmem>>, vector<16xf32>,
    %add3A_680 = arith.addf %add3A_677, %get3A_679 : vector<16xf32>
    %get3A_681 = arith.constant 2264 : index
    %get3A_682 = tpu.vector_load %arg6[%get3A_681] {strides = array<i32>} : memref<4112xf32, #tpu.memory_space<vmem>>, vector<16xf32>,
    %add3A_683 = arith.addf %add3A_680, %get3A_682 : vector<16xf32>
    %get3A_684 = arith.constant 2521 : index
    %get3A_685 = tpu.vector_load %arg6[%get3A_684] {strides = array<i32>} : memref<4112xf32, #tpu.memory_space<vmem>>, vector<16xf32>,
    %add3A_686 = arith.addf %add3A_683, %get3A_685 : vector<16xf32>
    %get3A_687 = arith.constant 2778 : index
    %get3A_688 = tpu.vector_load %arg6[%get3A_687] {strides = array<i32>} : memref<4112xf32, #tpu.memory_space<vmem>>, vector<16xf32>,
    %add3A_689 = arith.addf %add3A_686, %get3A_688 : vector<16xf32>
    %get3A_690 = arith.constant 3035 : index
    %get3A_691 = tpu.vector_load %arg6[%get3A_690] {strides = array<i32>} : memref<4112xf32, #tpu.memory_space<vmem>>, vector<16xf32>,
    %add3A_692 = arith.addf %add3A_689, %get3A_691 : vector<16xf32>
    %get3A_693 = arith.constant 3292 : index
    %get3A_694 = tpu.vector_load %arg6[%get3A_693] {strides = array<i32>} : memref<4112xf32, #tpu.memory_space<vmem>>, vector<16xf32>,
    %add3A_695 = arith.addf %add3A_692, %get3A_694 : vector<16xf32>
    %get3A_696 = arith.constant 3549 : index
    %get3A_697 = tpu.vector_load %arg6[%get3A_696] {strides = array<i32>} : memref<4112xf32, #tpu.memory_space<vmem>>, vector<16xf32>,
    %add3A_698 = arith.addf %add3A_695, %get3A_697 : vector<16xf32>
    %get3A_699 = arith.constant 3806 : index
    %get3A_700 = tpu.vector_load %arg6[%get3A_699] {strides = array<i32>} : memref<4112xf32, #tpu.memory_space<vmem>>, vector<16xf32>,
    %add3A_701 = arith.addf %add3A_698, %get3A_700 : vector<16xf32>
    %get3A_702 = arith.constant 4063 : index
    %get3A_703 = tpu.vector_load %arg6[%get3A_702] {strides = array<i32>} : memref<4112xf32, #tpu.memory_space<vmem>>, vector<16xf32>,
    %add3A_704 = arith.addf %add3A_701, %get3A_703 : vector<16xf32>
    %swap3A_705 = arith.constant 208 : index
    %swap3A_706 = tpu.vector_load %arg7[%swap3A_705] {strides = array<i32>} : memref<256xf32, #tpu.memory_space<vmem>>, vector<16xf32>,
    tpu.vector_store %arg7[%swap3A_705], %add3A_704 {strides = array<i32>} : memref<256xf32, #tpu.memory_space<vmem>>, vector<16xf32>,
    %get3A_707 = arith.constant 224 : index
    %get3A_708 = tpu.vector_load %arg6[%get3A_707] {strides = array<i32>} : memref<4112xf32, #tpu.memory_space<vmem>>, vector<16xf32>,
    %get3A_709 = arith.constant 481 : index
    %get3A_710 = tpu.vector_load %arg6[%get3A_709] {strides = array<i32>} : memref<4112xf32, #tpu.memory_space<vmem>>, vector<16xf32>,
    %add3A_711 = arith.addf %get3A_708, %get3A_710 : vector<16xf32>
    %get3A_712 = arith.constant 738 : index
    %get3A_713 = tpu.vector_load %arg6[%get3A_712] {strides = array<i32>} : memref<4112xf32, #tpu.memory_space<vmem>>, vector<16xf32>,
    %add3A_714 = arith.addf %add3A_711, %get3A_713 : vector<16xf32>
    %get3A_715 = arith.constant 995 : index
    %get3A_716 = tpu.vector_load %arg6[%get3A_715] {strides = array<i32>} : memref<4112xf32, #tpu.memory_space<vmem>>, vector<16xf32>,
    %add3A_717 = arith.addf %add3A_714, %get3A_716 : vector<16xf32>
    %get3A_718 = arith.constant 1252 : index
    %get3A_719 = tpu.vector_load %arg6[%get3A_718] {strides = array<i32>} : memref<4112xf32, #tpu.memory_space<vmem>>, vector<16xf32>,
    %add3A_720 = arith.addf %add3A_717, %get3A_719 : vector<16xf32>
    %get3A_721 = arith.constant 1509 : index
    %get3A_722 = tpu.vector_load %arg6[%get3A_721] {strides = array<i32>} : memref<4112xf32, #tpu.memory_space<vmem>>, vector<16xf32>,
    %add3A_723 = arith.addf %add3A_720, %get3A_722 : vector<16xf32>
    %get3A_724 = arith.constant 1766 : index
    %get3A_725 = tpu.vector_load %arg6[%get3A_724] {strides = array<i32>} : memref<4112xf32, #tpu.memory_space<vmem>>, vector<16xf32>,
    %add3A_726 = arith.addf %add3A_723, %get3A_725 : vector<16xf32>
    %get3A_727 = arith.constant 2023 : index
    %get3A_728 = tpu.vector_load %arg6[%get3A_727] {strides = array<i32>} : memref<4112xf32, #tpu.memory_space<vmem>>, vector<16xf32>,
    %add3A_729 = arith.addf %add3A_726, %get3A_728 : vector<16xf32>
    %get3A_730 = arith.constant 2280 : index
    %get3A_731 = tpu.vector_load %arg6[%get3A_730] {strides = array<i32>} : memref<4112xf32, #tpu.memory_space<vmem>>, vector<16xf32>,
    %add3A_732 = arith.addf %add3A_729, %get3A_731 : vector<16xf32>
    %get3A_733 = arith.constant 2537 : index
    %get3A_734 = tpu.vector_load %arg6[%get3A_733] {strides = array<i32>} : memref<4112xf32, #tpu.memory_space<vmem>>, vector<16xf32>,
    %add3A_735 = arith.addf %add3A_732, %get3A_734 : vector<16xf32>
    %get3A_736 = arith.constant 2794 : index
    %get3A_737 = tpu.vector_load %arg6[%get3A_736] {strides = array<i32>} : memref<4112xf32, #tpu.memory_space<vmem>>, vector<16xf32>,
    %add3A_738 = arith.addf %add3A_735, %get3A_737 : vector<16xf32>
    %get3A_739 = arith.constant 3051 : index
    %get3A_740 = tpu.vector_load %arg6[%get3A_739] {strides = array<i32>} : memref<4112xf32, #tpu.memory_space<vmem>>, vector<16xf32>,
    %add3A_741 = arith.addf %add3A_738, %get3A_740 : vector<16xf32>
    %get3A_742 = arith.constant 3308 : index
    %get3A_743 = tpu.vector_load %arg6[%get3A_742] {strides = array<i32>} : memref<4112xf32, #tpu.memory_space<vmem>>, vector<16xf32>,
    %add3A_744 = arith.addf %add3A_741, %get3A_743 : vector<16xf32>
    %get3A_745 = arith.constant 3565 : index
    %get3A_746 = tpu.vector_load %arg6[%get3A_745] {strides = array<i32>} : memref<4112xf32, #tpu.memory_space<vmem>>, vector<16xf32>,
    %add3A_747 = arith.addf %add3A_744, %get3A_746 : vector<16xf32>
    %get3A_748 = arith.constant 3822 : index
    %get3A_749 = tpu.vector_load %arg6[%get3A_748] {strides = array<i32>} : memref<4112xf32, #tpu.memory_space<vmem>>, vector<16xf32>,
    %add3A_750 = arith.addf %add3A_747, %get3A_749 : vector<16xf32>
    %get3A_751 = arith.constant 4079 : index
    %get3A_752 = tpu.vector_load %arg6[%get3A_751] {strides = array<i32>} : memref<4112xf32, #tpu.memory_space<vmem>>, vector<16xf32>,
    %add3A_753 = arith.addf %add3A_750, %get3A_752 : vector<16xf32>
    %swap3A_754 = arith.constant 224 : index
    %swap3A_755 = tpu.vector_load %arg7[%swap3A_754] {strides = array<i32>} : memref<256xf32, #tpu.memory_space<vmem>>, vector<16xf32>,
    tpu.vector_store %arg7[%swap3A_754], %add3A_753 {strides = array<i32>} : memref<256xf32, #tpu.memory_space<vmem>>, vector<16xf32>,
    %get3A_756 = arith.constant 240 : index
    %get3A_757 = tpu.vector_load %arg6[%get3A_756] {strides = array<i32>} : memref<4112xf32, #tpu.memory_space<vmem>>, vector<16xf32>,
    %get3A_758 = arith.constant 497 : index
    %get3A_759 = tpu.vector_load %arg6[%get3A_758] {strides = array<i32>} : memref<4112xf32, #tpu.memory_space<vmem>>, vector<16xf32>,
    %add3A_760 = arith.addf %get3A_757, %get3A_759 : vector<16xf32>
    %get3A_761 = arith.constant 754 : index
    %get3A_762 = tpu.vector_load %arg6[%get3A_761] {strides = array<i32>} : memref<4112xf32, #tpu.memory_space<vmem>>, vector<16xf32>,
    %add3A_763 = arith.addf %add3A_760, %get3A_762 : vector<16xf32>
    %get3A_764 = arith.constant 1011 : index
    %get3A_765 = tpu.vector_load %arg6[%get3A_764] {strides = array<i32>} : memref<4112xf32, #tpu.memory_space<vmem>>, vector<16xf32>,
    %add3A_766 = arith.addf %add3A_763, %get3A_765 : vector<16xf32>
    %get3A_767 = arith.constant 1268 : index
    %get3A_768 = tpu.vector_load %arg6[%get3A_767] {strides = array<i32>} : memref<4112xf32, #tpu.memory_space<vmem>>, vector<16xf32>,
    %add3A_769 = arith.addf %add3A_766, %get3A_768 : vector<16xf32>
    %get3A_770 = arith.constant 1525 : index
    %get3A_771 = tpu.vector_load %arg6[%get3A_770] {strides = array<i32>} : memref<4112xf32, #tpu.memory_space<vmem>>, vector<16xf32>,
    %add3A_772 = arith.addf %add3A_769, %get3A_771 : vector<16xf32>
    %get3A_773 = arith.constant 1782 : index
    %get3A_774 = tpu.vector_load %arg6[%get3A_773] {strides = array<i32>} : memref<4112xf32, #tpu.memory_space<vmem>>, vector<16xf32>,
    %add3A_775 = arith.addf %add3A_772, %get3A_774 : vector<16xf32>
    %get3A_776 = arith.constant 2039 : index
    %get3A_777 = tpu.vector_load %arg6[%get3A_776] {strides = array<i32>} : memref<4112xf32, #tpu.memory_space<vmem>>, vector<16xf32>,
    %add3A_778 = arith.addf %add3A_775, %get3A_777 : vector<16xf32>
    %get3A_779 = arith.constant 2296 : index
    %get3A_780 = tpu.vector_load %arg6[%get3A_779] {strides = array<i32>} : memref<4112xf32, #tpu.memory_space<vmem>>, vector<16xf32>,
    %add3A_781 = arith.addf %add3A_778, %get3A_780 : vector<16xf32>
    %get3A_782 = arith.constant 2553 : index
    %get3A_783 = tpu.vector_load %arg6[%get3A_782] {strides = array<i32>} : memref<4112xf32, #tpu.memory_space<vmem>>, vector<16xf32>,
    %add3A_784 = arith.addf %add3A_781, %get3A_783 : vector<16xf32>
    %get3A_785 = arith.constant 2810 : index
    %get3A_786 = tpu.vector_load %arg6[%get3A_785] {strides = array<i32>} : memref<4112xf32, #tpu.memory_space<vmem>>, vector<16xf32>,
    %add3A_787 = arith.addf %add3A_784, %get3A_786 : vector<16xf32>
    %get3A_788 = arith.constant 3067 : index
    %get3A_789 = tpu.vector_load %arg6[%get3A_788] {strides = array<i32>} : memref<4112xf32, #tpu.memory_space<vmem>>, vector<16xf32>,
    %add3A_790 = arith.addf %add3A_787, %get3A_789 : vector<16xf32>
    %get3A_791 = arith.constant 3324 : index
    %get3A_792 = tpu.vector_load %arg6[%get3A_791] {strides = array<i32>} : memref<4112xf32, #tpu.memory_space<vmem>>, vector<16xf32>,
    %add3A_793 = arith.addf %add3A_790, %get3A_792 : vector<16xf32>
    %get3A_794 = arith.constant 3581 : index
    %get3A_795 = tpu.vector_load %arg6[%get3A_794] {strides = array<i32>} : memref<4112xf32, #tpu.memory_space<vmem>>, vector<16xf32>,
    %add3A_796 = arith.addf %add3A_793, %get3A_795 : vector<16xf32>
    %get3A_797 = arith.constant 3838 : index
    %get3A_798 = tpu.vector_load %arg6[%get3A_797] {strides = array<i32>} : memref<4112xf32, #tpu.memory_space<vmem>>, vector<16xf32>,
    %add3A_799 = arith.addf %add3A_796, %get3A_798 : vector<16xf32>
    %get3A_800 = arith.constant 4095 : index
    %get3A_801 = tpu.vector_load %arg6[%get3A_800] {strides = array<i32>} : memref<4112xf32, #tpu.memory_space<vmem>>, vector<16xf32>,
    %add3A_802 = arith.addf %add3A_799, %get3A_801 : vector<16xf32>
    %swap3A_803 = arith.constant 240 : index
    %swap3A_804 = tpu.vector_load %arg7[%swap3A_803] {strides = array<i32>} : memref<256xf32, #tpu.memory_space<vmem>>, vector<16xf32>,
    tpu.vector_store %arg7[%swap3A_803], %add3A_802 {strides = array<i32>} : memref<256xf32, #tpu.memory_space<vmem>>, vector<16xf32>,
    "tpu.region"() ({
      %run_scoped3A = tpu.sem_alloc : memref<!tpu.dma_semaphore, #tpu.memory_space<semaphore_mem>>
      %dma_start3A_805 = arith.constant 0 : i32
      %dma_start3A_806 = tpu.memref_slice %arg3[%add3A, %dma_start3A_805] : memref<32x256xf32, #tpu.memory_space<hbm>> -> memref<1x256xf32, #tpu.memory_space<hbm>>
      %dma_start3A_807 = tpu.memref_squeeze %dma_start3A_806 : memref<1x256xf32, #tpu.memory_space<hbm>> -> memref<256xf32, #tpu.memory_space<hbm>>
      %dma_start3A_808 = arith.constant 0 : i32
      %dma_start3A_809 = tpu.memref_slice %arg3[%add3A, %dma_start3A_808] : memref<32x256xf32, #tpu.memory_space<hbm>> -> memref<1x256xf32, #tpu.memory_space<hbm>>
      %dma_start3A_810 = tpu.memref_squeeze %dma_start3A_809 : memref<1x256xf32, #tpu.memory_space<hbm>> -> memref<256xf32, #tpu.memory_space<hbm>>
      tpu.enqueue_dma source(%arg7 : memref<256xf32, #tpu.memory_space<vmem>>) target(%dma_start3A_810 : memref<256xf32, #tpu.memory_space<hbm>>) target_semaphore(%run_scoped3A : memref<!tpu.dma_semaphore, #tpu.memory_space<semaphore_mem>>)
      %dma_wait3A = arith.constant 0 : i32
      %dma_wait3A_811 = tpu.memref_slice %arg3[%add3A, %dma_wait3A] : memref<32x256xf32, #tpu.memory_space<hbm>> -> memref<1x256xf32, #tpu.memory_space<hbm>>
      %dma_wait3A_812 = tpu.memref_squeeze %dma_wait3A_811 : memref<1x256xf32, #tpu.memory_space<hbm>> -> memref<256xf32, #tpu.memory_space<hbm>>
      %dma_wait3A_813 = arith.constant 0 : i32
      %dma_wait3A_814 = tpu.memref_slice %arg3[%add3A, %dma_wait3A_813] : memref<32x256xf32, #tpu.memory_space<hbm>> -> memref<1x256xf32, #tpu.memory_space<hbm>>
      %dma_wait3A_815 = tpu.memref_squeeze %dma_wait3A_814 : memref<1x256xf32, #tpu.memory_space<hbm>> -> memref<256xf32, #tpu.memory_space<hbm>>
      tpu.wait_dma2 semaphore(%run_scoped3A : memref<!tpu.dma_semaphore, #tpu.memory_space<semaphore_mem>>) src(%arg7 : memref<256xf32, #tpu.memory_space<vmem>>) dst(%dma_wait3A_815 : memref<256xf32, #tpu.memory_space<hbm>>)
      tpu.yield
    }) : () -> ()
    return
  }
}

</mosaic_0001>

<sc_bundles>
// kernel: kernel.3.cloned.1.call-start
scs
__scs_entry_jumppad:
0x0: {  	(pc) =	sbr.rel $0x88, $3  }
0x1: {  	(tag) =	ssettag $0x0;
	lr =	simm.s32 $0x1  }
0x2: {  	[smem:$0x3FA0] =	sst lr;
	_ =	strace $0xD0000000  }
0x3: {  	_ = 	snop  }
0x4: {  	_ = 	snop  }
0x5: {  	_ = 	snop  }
0x6: {  	_ = 	snop  }
0x7: {  	_ = 	snop  }
__scs_overlays_trampoline_lowered:
0x8: {  	[smem:$0x3FAF] =	sst s0  }
0x9: {  	[smem:$0x3FB0] =	sst s1  }
0xa: {  	[smem:$0x3FB1] =	sst s2  }
0xb: {  	[smem:$0x3FB2] =	sst s3  }
0xc: {  	[smem:$0x3FB3] =	sst s4  }
0xd: {  	[smem:$0x3FB4] =	sst s5  }
0xe: {  	[smem:$0x3FB5] =	sst s6  }
0xf: {  	[smem:$0x3FB6] =	sst s7  }
0x10: {  	[smem:$0x3FB7] =	sst s8  }
0x11: {  	[smem:$0x3FB8] =	sst s9;
	s0 =	simm.s32 @!p0 $0x0  }
0x12: {  	s1 =	sld [smem:$0x3F9E];
	s0 =	simm.s32 @p0 $0x1  }
0x13: {  	[smem:$0x3FB9] =	sst s0;
	s0 =	simm.s32 @!p1 $0x0  }
0x14: {  	s2 =	sld [smem:$0x3F9D];
	s0 =	simm.s32 @p1 $0x1  }
0x15: {  	[smem:$0x3FBA] =	sst s0;
	s0 =	simm.s32 @!p2 $0x0  }
0x16: {  	s3 =	sld [smem:$0x3FDB];
	s0 =	simm.s32 @p2 $0x1  }
0x17: {  	s4 =	simm.s32 $0x1BF5;
	[smem:$0x3FBC] =	sst s0  }
0x18: {  	s0 =	sld [smem:$0x3F9F];
	_ =	swait.ge [sflag:s4], $0x0  }
0x19: {  	s7 =	sld [smem:$0x3FA0]  }
0x1a: {  	s8 =	sadd.s32 $0xFFFFE003, lr  }
0x1b: {  	s9 =	sadd.s32 $0xFFFFFEF7, lr;
	s5 =	simm.s32 $0xFFFFFFFF;
	p2 =	slt.u32 s8, $0xFFFFF086  }
0x1c: {  	p1 =	slt.u32 s9, $0xF7A;
	s5 =	simm.s32 @!p2 $0x0  }
0x1d: {  	s5 =	simm.s32 @p1 $0x1;
	p0 =	seq.s32 s7, s2  }
0x1e: {  	s7 =	smul.u32 @!p0 $0xF7A, s2;
	p2 =	seq.s32 @!p0 s5, $0x0  }
0x1f: {  	s9 =	smul.u32 $0xF7A, s1;
	s8 =	simm.s32 @!p0 $0x1BF5;
	p2 =	por !p2, p0  }
0x20: {  	[sflag:s8] =	ssyncset.s32 @!p0 $0xFFFFF086;
	s6 =	sadd.s32 @!p0 s3, s7;
	s7 =	simm.s32 @!p0 $0x108  }
0x21: {  	s3 =	sadd.s32 s3, s9;
	s6 =	sadd.s32 @!p0 $0x88, s6;
	s7 =	simm.s32 @p2 $0x1082  }
0x22: {  	[simem:s7], [sflag:s8] =	dma.local @!p0 [hbm:s6], $0xF7A  }
0x23: {  	s9 =	sor.u32 $0xD0000000, s2;
	s6 =	simm.s32 $0x108;
	_ =	swait.ge @!p0 [sflag:s8], $0x0  }
0x24: {  	s3 =	sadd.s32 $0x88, s3;
	s6 =	simm.s32 @!p1 $0x1082;
	[sflag:s4] =	ssyncset.s32 $0xFFFFF086  }
0x25: {  	[simem:s6], [sflag:s4] =	dma.local [hbm:s3], $0xF7A  }
0x26: {  	[smem:$0x3FA0] =	sst s1;
	(tag) =	ssettag s2;
	_ =	strace s9  }
0x27: {  	s1 =	sld [smem:$0x3FB0]  }
0x28: {  	s2 =	sld [smem:$0x3FB1]  }
0x29: {  	s4 =	sld [smem:$0x3FB3]  }
0x2a: {  	p0 =	seq.s32 s5, $0x0;
	s5 =	sld [smem:$0x3FB4]  }
0x2b: {  	s6 =	sld [smem:$0x3FB5]  }
0x2c: {  	s7 =	sld [smem:$0x3FB6]  }
0x2d: {  	s3 =	simm.s32 $0x108;
	s8 =	sld [smem:$0x3FB7]  }
0x2e: {  	s3 =	simm.s32 @!p0 $0x1082;
	s9 =	sld [smem:$0x3FB8]  }
0x2f: {  	lr =	sadd.s32 s0, s3;
	s0 =	sld [smem:$0x3FAF]  }
0x30: {  	s3 =	sld [smem:$0x3FB2]  }
0x31: {  	[smem:$0x3FBB] =	sst s10  }
0x32: {  	s10 =	sld [smem:$0x3FB9];
	_ =	sdelay $0x3  }
0x33: {  	p0 =	seq.s32 s10, $0x1;
	s10 =	sld [smem:$0x3FBB];
	_ =	sdelay $0x3  }
0x34: {  	[smem:$0x3FBB] =	sst s10  }
0x35: {  	s10 =	sld [smem:$0x3FBA];
	_ =	sdelay $0x3  }
0x36: {  	p1 =	seq.s32 s10, $0x1;
	s10 =	sld [smem:$0x3FBB];
	_ =	sdelay $0x3  }
0x37: {  	[smem:$0x3FBB] =	sst s10  }
0x38: {  	s10 =	sld [smem:$0x3FBC]  }
0x39: {  	_ = 	snop;
	(pc) =	sbr.ind lr, $3  }
0x3a: {  	_ = 	snop  }
0x3b: {  	_ = 	snop  }
0x3c: {  	p2 =	seq.s32 s10, $0x1;
	s10 =	sld [smem:$0x3FBB]  }
0x3d: {  	_ =	shalt  }
0x3e: {  	_ =	shalt  }
0x3f: {  	_ =	shalt  }
0x40: {  	_ =	shalt  }
0x41: {  	_ =	shalt  }
0x42: {  	_ =	shalt  }
0x43: {  	_ =	shalt  }
0x44: {  	_ =	shalt  }
0x45: {  	_ =	shalt  }
0x46: {  	_ =	shalt  }
0x47: {  	_ =	shalt  }
0x48: {  	_ =	shalt  }
0x49: {  	_ =	shalt  }
0x4a: {  	_ =	shalt  }
0x4b: {  	_ =	shalt  }
0x4c: {  	_ =	shalt  }
0x4d: {  	_ =	shalt  }
0x4e: {  	_ =	shalt  }
0x4f: {  	_ =	shalt  }
0x50: {  	_ =	shalt  }
0x51: {  	_ =	shalt  }
0x52: {  	_ =	shalt  }
0x53: {  	_ =	shalt  }
0x54: {  	_ =	shalt  }
0x55: {  	_ =	shalt  }
0x56: {  	_ =	shalt  }
0x57: {  	_ =	shalt  }
0x58: {  	_ =	shalt  }
0x59: {  	_ =	shalt  }
0x5a: {  	_ =	shalt  }
0x5b: {  	_ =	shalt  }
0x5c: {  	_ =	shalt  }
0x5d: {  	_ =	shalt  }
0x5e: {  	_ =	shalt  }
0x5f: {  	_ =	shalt  }
0x60: {  	_ =	shalt  }
0x61: {  	_ =	shalt  }
0x62: {  	_ =	shalt  }
0x63: {  	_ =	shalt  }
0x64: {  	_ =	shalt  }
0x65: {  	_ =	shalt  }
0x66: {  	_ =	shalt  }
0x67: {  	_ =	shalt  }
0x68: {  	_ =	shalt  }
0x69: {  	_ =	shalt  }
0x6a: {  	_ =	shalt  }
0x6b: {  	_ =	shalt  }
0x6c: {  	_ =	shalt  }
0x6d: {  	_ =	shalt  }
0x6e: {  	_ =	shalt  }
0x6f: {  	_ =	shalt  }
0x70: {  	_ =	shalt  }
0x71: {  	_ =	shalt  }
0x72: {  	_ =	shalt  }
0x73: {  	_ =	shalt  }
0x74: {  	_ =	shalt  }
0x75: {  	_ =	shalt  }
0x76: {  	_ =	shalt  }
0x77: {  	_ =	shalt  }
0x78: {  	_ =	shalt  }
0x79: {  	_ =	shalt  }
0x7a: {  	_ =	shalt  }
0x7b: {  	_ =	shalt  }
0x7c: {  	_ =	shalt  }
0x7d: {  	_ =	shalt  }
0x7e: {  	_ =	shalt  }
0x7f: {  	_ =	shalt  }
0x80: {  	_ =	shalt  }
0x81: {  	_ =	shalt  }
0x82: {  	_ =	shalt  }
0x83: {  	_ =	shalt  }
0x84: {  	_ =	shalt  }
0x85: {  	_ =	shalt  }
0x86: {  	_ =	shalt  }
0x87: {  	_ =	shalt  }
.Lfunc_end0:
.L_simem_size_0:
called_computation_lowered:
.L_overlay_start_0:
0x88: {  	s2 =	sld [smem:$0x3FD9]  }
0x89: {  	s3 =	sld [smem:$0x3FFE];
	_ =	sdelay $0x1  }
0x8a: {  	s1 =	srdreg.scid  }
0x8b: {  	s0 =	sand.u32 $0x1, s1  }
0x8c: {  	s17 =	sshll.u32 s0, $0xA;
	s2 =	sadd.s32 s3, s2  }
0x8d: {  	s2 =	sadd.s32 s2, s17  }
0x8e: {  	[smem:$0x3FC7] =	sst s2  }
0x8f: {  	_ = 	snop  }
0x90: {  	s2 =	sld [smem:$0x3FC9];
	(tm) =	ssettm $0x1  }
0x91: {  	s18 =	sld [smem:$0x3FFB];
	_ =	sdelay $0x3  }
0x92: {  	_ =	strace s18  }
0x93: {  	s3 =	sld [smem:$0x3FFC];
	_ =	sdelay $0x3  }
0x94: {  	_ =	strace s3  }
0x95: {  	s3 =	sld [smem:$0x3FFD];
	_ =	sdelay $0x3  }
0x96: {  	_ =	strace s3  }
0x97: {  	_ =	strace $0x8FFFFFFF  }
0x98: {  	s19 =	sld [smem:$0x3FDB];
	_ =	sdelay $0x1  }
0x99: {  	s4 =	simm.s32 $_scs_section_size  }
0x9a: {  	s5 =	simm.s32 $_size__tile_overlayer_lowered;
	s6 =	simm.s32 $_tile_overlayer_lowered  }
0x9b: {  	s22 =	simm.s32 $0x1BFF;
	s21 =	sshll.u32 s6, $0x1;
	s3 =	sadd.s32 s4, s19  }
0x9c: {  	s7 =	simm.s32 $0x0;
	s20 =	sshll.u32 s5, $0x1;
	s5 =	sadd.s32 s21, s3  }
0x9d: {  	[timem:s7], [sflag:s22] =	dma.local [hbm:s5], s20  }
0x9e: {  	_ =	swait.ge [sflag:s22], s20  }
0x9f: {  	s4 =	ssub.s32 $0x0, s20;
	[sflag:s22] =	ssyncset.done $0x0  }
0xa0: {  	[sflag:s22] =	ssyncadd.s32 s4;
	_ =	sdelay $0x1  }
0xa1: {  	s23 =	simm.s32 $0x1B8B  }
0xa2: {  	_ =	swait.ge [sflag:s23], $0x1  }
0xa3: {  	[sflag:s23] =	ssyncset.done $0x0  }
0xa4: {  	s25 =	simm.s32 $0x1B8E;
	s24 =	sld [smem:$0x3FFE];
	[sflag:s23] =	ssyncadd.s32 $0xFFFFFFFF  }
0xa5: {  	s26 =	simm.s32 $execute0_lowered;
	[smem:$0x3FD2] =	sst s25  }
0xa6: {  	s5 =	sshll.u32 s26, $0x1;
	_ =	strace $0x80000046;
	[dreg:$0x1] =	wrdreg $0xFFFFFFFF  }
0xa7: {  	s28 =	simm.s32 $_size_execute0_lowered;
	s3 =	sadd.s32 s3, s5;
	[dreg:$0x0] =	wrdreg $0x0  }
0xa8: {  	s5 =	sshll.u32 s28, $0x1;
	[dreg:$0x2] =	wrdreg s3  }
0xa9: {  	[dreg:$0x3] =	wrdreg s5  }
0xaa: {  	[dreg:$0x4] =	wrdreg $0xC0  }
0xab: {  	_ =	task [dreg:s7], $0x5FFFF  }
0xac: {  	[dreg:$0x1] =	wrdreg $0xFFFFFFFF  }
0xad: {  	[dreg:$0x0] =	wrdreg $0x60  }
0xae: {  	[dreg:$0x2] =	wrdreg s2  }
0xaf: {  	[dreg:$0x3] =	wrdreg s24  }
0xb0: {  	[dreg:$0x4] =	wrdreg $0x9  }
0xb1: {  	_ =	task.clear_ibuf [dreg:s7], $0x5FFFF;
	_ =	strace $0x90000046  }
0xb2: {  	s29 =	simm.s32 $0x9;
	_ =	strace $0x80000048  }
0xb3: {  	_ =	swait.ge [sflag:s29], $0x1  }
0xb4: {  	[sflag:s29] =	ssyncadd.s32 $0xFFFFFFFF  }
0xb5: {  	_ =	strace $0x90000048  }
0xb6: {  	_ =	sfence  }
0xb7: {  	s30 =	sld [smem:$0x0];
	_ =	sdelay $0x2  }
0xb8: {  	s31 =	sshll.u32 s1, $0xD;
	s1 =	sshrl.u32 s1, $0x2  }
0xb9: {  	s3 =	sand.u32 $0x4000, s31;
	s1 =	sadd.s32 s1, s30  }
0xba: {  	s0 =	sor.u32 s3, s0;
	s1 =	sshll.u32 s1, $0x11  }
0xbb: {  	s0 =	sor.u32 s1, s0  }
0xbc: {  	s0 =	sadd.s32 $0x8F2B, s0  }
0xbd: {  	[sflag:s0] =	ssyncadd.remote.s32 $0x1  }
0xbe: {  	_ =	sfence.sel $0xFFFF  }
0xbf: {  	[dreg:$0x0] =	wrdreg $0xFFFFFFFF;
	(pc) =	sbr.abs _section_cstart, $3  }
0xc0: {  	[dreg:$0x1] =	wrdreg $0xFFFFFFFF  }
0xc1: {  	_ =	task.clear_ibuf [dreg:s7], $0x2FFFF;
	_ =	strace $0x9FFFFFFF  }
0xc2: {  	(tm) =	ssettm $0x7FFFFFFF  }
0xc3: {  	_ =	shalt  }
tec
execute0_lowered:
.L_overlay_start_1:
0x0: {  	(tag) =	ssettag $0x1  }
0x1: {  	s1 =	rddreg [dreg:$0x0]  }
0x2: {  	s6 =	rddreg [dreg:$0x1]  }
0x3: {  	s0 =	rddreg [dreg:$0x2];
	s4 =	srdreg.scid  }
0x4: {  	s3 =	simm.s32 $0x0;
	s2 =	stileid.u32;
	s11 =	simm.s32 $0x10000  }
0x5: {  	s12 =	simm.s32 $0x2;
	s13 =	simm.s32 $0x80;
	s14 =	simm.s32 $0x400  }
0x6: {  	s15 =	simm.s32 $0x11080;
	s16 =	simm.s32 $0x3;
	s17 =	simm.s32 $0x0  }
0x7: {  	s4 =	sand.u32 $0x1, s4;
	[smem:$0x7FF] =	sst s3;
	s7 =	sshll.u32 s2, $0x1  }
0x8: {  	s30 =	sshll.u32 s2, $0x6;
	s5 =	ssub.s32 $0x2, s4;
	_ =	strace $0x80000047  }
0x9: {  	s7 =	sor.u32 s4, s7;
	s10 =	sand.u32 $0x300, s30;
	s8 =	sshrl.u32 s5, $0x1  }
0xa: {  	s4 =	sshll.u32 s7, $0x13;
	s9 =	sshll.u32 s7, $0x10;
	s7 =	sshll.u32 s7, $0x4  }
0xb: {  	v1 =	vlaneseq.u32;
	s31 =	sadd.s32 s6, s10;
	s10 =	simm.s32 $0x1;
	s8 =	ssub.s32 s5, s8  }
0xc: {  	v1 =	vmul.u32 $0x101, v1;
	s5 =	sadd.s32 s1, s9;
	s7 =	sand.u32 $0x70, s7;
	s6 =	sor.u32 $0x10000, s4  }
0xd: {  	v0 =	vimm.f32 $0.0e+00;
	v2 =	vimm.f32 $1.000000000e+00;
	s9 =	simm.s32 $0x8000;
	s7 =	sadd.s32 s7, s31;
	s8 =	smax.u32 s8, $0x1  }
.LBB2_1:
0xe: {  	s18 =	simm.s32 $0x40;
	s19 =	simm.s32 $0x0  }
.LBB2_2:
0xf: {  	p0 =	sne.s32 s18, $0x4000;
	[tilespmem:s19+$0x10000] =	vst v0;
	s19 =	smov.u32 s18;
	s18 =	sadd.s32 $0x40, s18  }
.Ltmp0:
0x10: {  	(pc) =	sbr.rel @p0 .LBB2_2-.Ltmp0, $2  }
0x11: {  	_ =	sdelay $0x2  }
0x12: {  	s19 =	sshra.s32 s19, $0x2  }
0x13: {  	[tilespmem:s19+$0x10000] =	vst v0;
	s18 =	simm.s32 $0x0  }
0x14: {  	[tilespmem:s18], [sflag:$0x1] =	stream.linear.gather [hbm4b:s5+s18], $0x8000, $0x38;
	[tilespmem:$0x11180] =	vst v63  }
.LBB2_4:
0x15: {  	s19 =	sshll.u32 s18, $0x10  }
0x16: {  	s20 =	sor.u32 s19, s4  }
0x17: {  	s20 =	sshrl.u32 s20, $0x3  }
0x18: {  	s20 =	sadd.s32 s20, s1  }
0x19: {  	s20 =	sadd.s32 $0x1000, s20  }
0x1a: {  	[tilespmem:s9], [sflag:$0x2] =	stream.linear.gather [hbm4b:s20+s3], $0x8000, $0x38;
	[tilespmem:$0x11180] =	vst v63  }
0x1b: {  	_ =	swait.ge [sflag:s10], $0x8000  }
0x1c: {  	[sflag:s10] =	ssyncset.done $0x0  }
0x1d: {  	s30 =	simm.s32 $0x40;
	[sflag:s10] =	ssyncadd.s32 $0xFFFF8000  }
0x1e: {  	v3 =	vld [tilespmem:s30+$0x30]  }
0x1f: {  	v4 =	vld [tilespmem:s30+$0xFFFFFFD0]  }
0x20: {  	v5 =	vld [tilespmem:s30+$0xFFFFFFE0]  }
0x21: {  	v6 =	vld [tilespmem:s30+$0xFFFFFFF0]  }
0x22: {  	v7 =	vld [tilespmem:s30+$0x0]  }
0x23: {  	v8 =	vld [tilespmem:s30+$0x10]  }
0x24: {  	v9 =	vld [tilespmem:s30+$0xFFFFFFC0]  }
0x25: {  	s31 =	simm.s32 $0xC0;
	v10 =	vld [tilespmem:s30+$0x20]  }
0x26: {  	v11 =	vld [tilespmem:s31+$0x30]  }
0x27: {  	v13 =	vld [tilespmem:s31+$0xFFFFFFE0]  }
0x28: {  	v15 =	vld [tilespmem:s31+$0xFFFFFFF0];
	v3 =	vmax.f32 v3, $-4.000000000e+00;
	v4 =	vmax.f32 v4, $-4.000000000e+00;
	v5 =	vmax.f32 v5, $-4.000000000e+00  }
0x29: {  	v6 =	vmax.f32 v6, $-4.000000000e+00;
	v7 =	vmax.f32 v7, $-4.000000000e+00;
	v8 =	vmax.f32 v8, $-4.000000000e+00  }
0x2a: {  	v9 =	vmax.f32 v9, $-4.000000000e+00;
	v10 =	vmax.f32 v10, $-4.000000000e+00;
	v3 =	vadd.f32 $4.000000000e+00, v3  }
0x2b: {  	v11 =	vmax.f32 v11, $-4.000000000e+00;
	v4 =	vadd.f32 $4.000000000e+00, v4;
	v5 =	vadd.f32 $4.000000000e+00, v5  }
0x2c: {  	v13 =	vmax.f32 v13, $-4.000000000e+00;
	v6 =	vadd.f32 $4.000000000e+00, v6;
	v7 =	vadd.f32 $4.000000000e+00, v7  }
0x2d: {  	v18 =	vld [tilespmem:s31+$0x0];
	v15 =	vmax.f32 v15, $-4.000000000e+00;
	v8 =	vadd.f32 $4.000000000e+00, v8;
	v9 =	vadd.f32 $4.000000000e+00, v9  }
0x2e: {  	v10 =	vadd.f32 $4.000000000e+00, v10;
	v3 =	vmul.f32 $3.200000000e+01, v3;
	v4 =	vmul.f32 $3.200000000e+01, v4  }
0x2f: {  	v11 =	vadd.f32 $4.000000000e+00, v11;
	v5 =	vmul.f32 $3.200000000e+01, v5;
	v6 =	vmul.f32 $3.200000000e+01, v6  }
0x30: {  	v13 =	vadd.f32 $4.000000000e+00, v13;
	v7 =	vmul.f32 $3.200000000e+01, v7;
	v9 =	vmul.f32 $3.200000000e+01, v9  }
0x31: {  	v15 =	vadd.f32 $4.000000000e+00, v15;
	v8 =	vmul.f32 $3.200000000e+01, v8;
	v10 =	vmul.f32 $3.200000000e+01, v10  }
0x32: {  	v18 =	vmax.f32 v18, $-4.000000000e+00;
	v11 =	vmul.f32 $3.200000000e+01, v11;
	v13 =	vmul.f32 $3.200000000e+01, v13  }
0x33: {  	v15 =	vmul.f32 $3.200000000e+01, v15;
	v3 =	vmin.f32 v3, $2.550000000e+02;
	v4 =	vmin.f32 v4, $2.550000000e+02  }
0x34: {  	v12 =	vld [tilespmem:s31+$0xFFFFFFD0];
	v5 =	vmin.f32 v5, $2.550000000e+02;
	v7 =	vmin.f32 v7, $2.550000000e+02;
	v3 =	vtrunc.f32 v3  }
0x35: {  	v8 =	vmin.f32 v8, $2.550000000e+02;
	v4 =	vtrunc.f32 v4;
	v5 =	vtrunc.f32 v5  }
0x36: {  	v10 =	vmin.f32 v10, $2.550000000e+02;
	v7 =	vtrunc.f32 v7;
	v8 =	vtrunc.f32 v8  }
0x37: {  	v18 =	vadd.f32 $4.000000000e+00, v18;
	v10 =	vtrunc.f32 v10;
	v3 =	vcvt.f32.s32 v3  }
0x38: {  	v9 =	vmin.f32 v9, $2.550000000e+02;
	v17 =	vcvt.f32.s32 v5;
	v5 =	vcvt.f32.s32 v7;
	v7 =	vld [tilespmem:s31+$0x10]  }
0x39: {  	v16 =	vcvt.f32.s32 v4;
	v4 =	vcvt.f32.s32 v8;
	v8 =	vmax.f32 v12, $-4.000000000e+00;
	v12 =	vld [tilespmem:s31+$0xFFFFFFC0]  }
0x3a: {  	v9 =	vtrunc.f32 v9;
	v14 =	vadd.s32 v1, v3;
	v3 =	vcvt.f32.s32 v10;
	v10 =	vld [tilespmem:s31+$0x20]  }
0x3b: {  	v6 =	vmin.f32 v6, $2.550000000e+02;
	v11 =	vmin.f32 v11, $2.550000000e+02;
	v9 =	vcvt.f32.s32 v9  }
0x3c: {  	v13 =	vmin.f32 v13, $2.550000000e+02;
	v6 =	vtrunc.f32 v6;
	v11 =	vtrunc.f32 v11  }
0x3d: {  	v11 =	vcvt.f32.s32 v11;
	v8 =	vadd.f32 $4.000000000e+00, v8;
	v9 =	vadd.s32 v1, v9  }
0x3e: {  	v16 =	vadd.s32 v1, v16;
	v17 =	vadd.s32 v1, v17;
	v7 =	vmax.f32 v7, $-4.000000000e+00  }
0x3f: {  	v12 =	vmax.f32 v12, $-4.000000000e+00;
	v7 =	vadd.f32 $4.000000000e+00, v7;
	v10 =	vmax.f32 v10, $-4.000000000e+00  }
0x40: {  	v8 =	vmul.f32 $3.200000000e+01, v8;
	v12 =	vadd.f32 $4.000000000e+00, v12;
	v10 =	vadd.f32 $4.000000000e+00, v10  }
0x41: {  	[tilespmem:v14+s11+$0x0] =	vst.idx.add.f32.msk $0xffff, v2;
	v14 =	vmul.f32 $3.200000000e+01, v18;
	v63 =	vmul.f32 $3.200000000e+01, v7;
	v7 =	vadd.s32 v1, v11  }
0x42: {  	[tilespmem:v9+s11+$0x0] =	vst.idx.add.f32.msk $0xffff, v2;
	v19 =	vmul.f32 $3.200000000e+01, v12;
	v12 =	vmin.f32 v8, $2.550000000e+02;
	v8 =	vmul.f32 $3.200000000e+01, v10  }
0x43: {  	v6 =	vcvt.f32.s32 v6;
	[tilespmem:v16+s11+$0x0] =	vst.idx.add.f32.msk $0xffff, v2;
	v11 =	vmin.f32 v15, $2.550000000e+02;
	v9 =	vmin.f32 v14, $2.550000000e+02  }
0x44: {  	s21 =	simm.s32 $0x140;
	s20 =	simm.s32 $0x8;
	[tilespmem:v17+s11+$0x0] =	vst.idx.add.f32.msk $0xffff, v2;
	v14 =	vmin.f32 v19, $2.550000000e+02;
	v10 =	vmin.f32 v63, $2.550000000e+02;
	v8 =	vmin.f32 v8, $2.550000000e+02  }
.LBB2_5:
0x45: {  	v15 =	vld [tilespmem:s21+$0x30];
	v14 =	vtrunc.f32 v14;
	v12 =	vtrunc.f32 v12;
	v16 =	vadd.s32 v1, v6  }
0x46: {  	s20 =	sadd.s32 $0x8, s20;
	v6 =	vtrunc.f32 v13;
	v11 =	vtrunc.f32 v11;
	[tilespmem:v7+s11+$0x0] =	vst.idx.add.f32.msk $0xffff, v2;
	v7 =	vadd.s32 v1, v5  }
0x47: {  	p0 =	slt.u32 s20, $0x7F8;
	v5 =	vtrunc.f32 v9;
	v9 =	vtrunc.f32 v10;
	v10 =	vadd.s32 v1, v4;
	v13 =	vld [tilespmem:s21+$0xFFFFFFD0]  }
0x48: {  	v8 =	vtrunc.f32 v8;
	v4 =	vcvt.f32.s32 v14;
	v14 =	vadd.s32 v1, v3;
	v17 =	vld [tilespmem:s21+$0xFFFFFFE0]  }
0x49: {  	v12 =	vcvt.f32.s32 v12;
	v19 =	vcvt.f32.s32 v6;
	v18 =	vld [tilespmem:s21+$0xFFFFFFF0]  }
0x4a: {  	v6 =	vcvt.f32.s32 v11;
	v5 =	vcvt.f32.s32 v5;
	v21 =	vadd.s32 v1, v4;
	v20 =	vld [tilespmem:s21+$0x0]  }
0x4b: {  	v3 =	vcvt.f32.s32 v8;
	v4 =	vcvt.f32.s32 v9;
	v15 =	vmax.f32 v15, $-4.000000000e+00;
	v11 =	vld [tilespmem:s21+$0x10]  }
0x4c: {  	v12 =	vadd.s32 v1, v12;
	v8 =	vmax.f32 v13, $-4.000000000e+00;
	v9 =	vld [tilespmem:s21+$0x20];
	v13 =	vadd.f32 $4.000000000e+00, v15  }
0x4d: {  	v19 =	vadd.s32 v1, v19;
	v15 =	vld [tilespmem:s21+$0xFFFFFFC0];
	v8 =	vadd.f32 $4.000000000e+00, v8;
	v17 =	vmax.f32 v17, $-4.000000000e+00  }
0x4e: {  	v17 =	vadd.f32 $4.000000000e+00, v17;
	v18 =	vmax.f32 v18, $-4.000000000e+00;
	v13 =	vmul.f32 $3.200000000e+01, v13;
	[tilespmem:v16+s11+$0x0] =	vst.idx.add.f32.msk $0xffff, v2  }
0x4f: {  	v8 =	vmul.f32 $3.200000000e+01, v8;
	v16 =	vadd.f32 $4.000000000e+00, v18;
	v18 =	vmax.f32 v20, $-4.000000000e+00;
	[tilespmem:v21+s11+$0x0] =	vst.idx.add.f32.msk $0xffff, v2  }
0x50: {  	v18 =	vadd.f32 $4.000000000e+00, v18;
	v11 =	vmax.f32 v11, $-4.000000000e+00;
	v13 =	vmin.f32 v13, $2.550000000e+02;
	[tilespmem:v7+s11+$0x0] =	vst.idx.add.f32.msk $0xffff, v2  }
0x51: {  	v7 =	vadd.f32 $4.000000000e+00, v11;
	v9 =	vmax.f32 v9, $-4.000000000e+00;
	v11 =	vtrunc.f32 v13;
	[tilespmem:v12+s11+$0x0] =	vst.idx.add.f32.msk $0xffff, v2  }
0x52: {  	v12 =	vmax.f32 v15, $-4.000000000e+00;
	v9 =	vadd.f32 $4.000000000e+00, v9;
	v11 =	vcvt.f32.s32 v11;
	[tilespmem:v19+s11+$0x0] =	vst.idx.add.f32.msk $0xffff, v2  }
.Ltmp1:
0x53: {  	v13 =	vmul.f32 $3.200000000e+01, v17;
	v15 =	vmul.f32 $3.200000000e+01, v16;
	v12 =	vadd.f32 $4.000000000e+00, v12;
	[tilespmem:v10+s11+$0x0] =	vst.idx.add.f32.msk $0xffff, v2;
	(pc) =	sbr.rel @p0 .LBB2_5-.Ltmp1, $4  }
0x54: {  	v10 =	vmul.f32 $3.200000000e+01, v18;
	v16 =	vmul.f32 $3.200000000e+01, v7;
	v7 =	vadd.s32 v1, v11;
	[tilespmem:v14+s11+$0x0] =	vst.idx.add.f32.msk $0xffff, v2  }
0x55: {  	v14 =	vmul.f32 $3.200000000e+01, v12;
	v12 =	vmin.f32 v8, $2.550000000e+02;
	v8 =	vmul.f32 $3.200000000e+01, v9  }
0x56: {  	v13 =	vmin.f32 v13, $2.550000000e+02;
	v11 =	vmin.f32 v15, $2.550000000e+02;
	v9 =	vmin.f32 v10, $2.550000000e+02  }
0x57: {  	s21 =	sadd.s32 $0x80, s21;
	v10 =	vmin.f32 v16, $2.550000000e+02;
	v14 =	vmin.f32 v14, $2.550000000e+02;
	v8 =	vmin.f32 v8, $2.550000000e+02  }
0x58: {  	v6 =	vadd.s32 v1, v6  }
0x59: {  	v14 =	vtrunc.f32 v14;
	v5 =	vadd.s32 v1, v5  }
0x5a: {  	v12 =	vtrunc.f32 v12;
	v4 =	vadd.s32 v1, v4;
	v14 =	vcvt.f32.s32 v14  }
0x5b: {  	v13 =	vtrunc.f32 v13;
	v3 =	vadd.s32 v1, v3;
	v12 =	vcvt.f32.s32 v12  }
0x5c: {  	[tilespmem:v7+s11+$0x0] =	vst.idx.add.f32.msk $0xffff, v2;
	v9 =	vtrunc.f32 v9;
	v13 =	vcvt.f32.s32 v13;
	v14 =	vadd.s32 v1, v14  }
0x5d: {  	v11 =	vtrunc.f32 v11;
	v9 =	vcvt.f32.s32 v9;
	v12 =	vadd.s32 v1, v12;
	[tilespmem:v6+s11+$0x0] =	vst.idx.add.f32.msk $0xffff, v2  }
0x5e: {  	v8 =	vtrunc.f32 v8;
	v11 =	vcvt.f32.s32 v11;
	v7 =	vadd.s32 v1, v13;
	[tilespmem:v5+s11+$0x0] =	vst.idx.add.f32.msk $0xffff, v2  }
0x5f: {  	v8 =	vcvt.f32.s32 v8;
	v9 =	vadd.s32 v1, v9;
	v6 =	vtrunc.f32 v10;
	[tilespmem:v4+s11+$0x0] =	vst.idx.add.f32.msk $0xffff, v2  }
0x60: {  	v5 =	vadd.s32 v1, v11;
	[tilespmem:v3+s11+$0x0] =	vst.idx.add.f32.msk $0xffff, v2;
	v6 =	vcvt.f32.s32 v6  }
0x61: {  	v4 =	vadd.s32 v1, v8;
	[tilespmem:v14+s11+$0x0] =	vst.idx.add.f32.msk $0xffff, v2  }
0x62: {  	[tilespmem:v12+s11+$0x0] =	vst.idx.add.f32.msk $0xffff, v2;
	v6 =	vadd.s32 v1, v6  }
0x63: {  	[tilespmem:v7+s11+$0x0] =	vst.idx.add.f32.msk $0xffff, v2  }
0x64: {  	p0 =	seq.s32 s18, $0x7;
	[tilespmem:v9+s11+$0x0] =	vst.idx.add.f32.msk $0xffff, v2  }
0x65: {  	s19 =	sadd.s32 @!p0 s19, s6;
	[tilespmem:v5+s11+$0x0] =	vst.idx.add.f32.msk $0xffff, v2  }
0x66: {  	s19 =	sshrl.u32 @!p0 s19, $0x3;
	[tilespmem:v4+s11+$0x0] =	vst.idx.add.f32.msk $0xffff, v2  }
0x67: {  	s20 =	simm.s32 @!p0 $0x0;
	s19 =	sadd.s32 @!p0 s1, s19;
	[tilespmem:v6+s11+$0x0] =	vst.idx.add.f32.msk $0xffff, v2  }
0x68: {  	[tilespmem:s20], [sflag:$0x1] =	stream.linear.gather @!p0 [hbm4b:s19+s20], $0x8000, $0x38;
	[tilespmem:$0x11180] =	vst v63  }
0x69: {  	_ =	swait.ge [sflag:s12], $0x8000  }
0x6a: {  	[sflag:s12] =	ssyncset.done $0x0  }
0x6b: {  	s30 =	simm.s32 $0x8040;
	[sflag:s12] =	ssyncadd.s32 $0xFFFF8000  }
0x6c: {  	v3 =	vld [tilespmem:s30+$0x30]  }
0x6d: {  	v4 =	vld [tilespmem:s30+$0xFFFFFFD0]  }
0x6e: {  	v5 =	vld [tilespmem:s30+$0xFFFFFFE0]  }
0x6f: {  	v6 =	vld [tilespmem:s30+$0xFFFFFFF0]  }
0x70: {  	v7 =	vld [tilespmem:s30+$0x0]  }
0x71: {  	v8 =	vld [tilespmem:s30+$0x10]  }
0x72: {  	v9 =	vld [tilespmem:s30+$0xFFFFFFC0]  }
0x73: {  	s31 =	simm.s32 $0x80C0;
	v10 =	vld [tilespmem:s30+$0x20]  }
0x74: {  	v11 =	vld [tilespmem:s31+$0x30]  }
0x75: {  	v13 =	vld [tilespmem:s31+$0xFFFFFFE0]  }
0x76: {  	v15 =	vld [tilespmem:s31+$0xFFFFFFF0];
	v3 =	vmax.f32 v3, $-4.000000000e+00;
	v4 =	vmax.f32 v4, $-4.000000000e+00;
	v5 =	vmax.f32 v5, $-4.000000000e+00  }
0x77: {  	v6 =	vmax.f32 v6, $-4.000000000e+00;
	v7 =	vmax.f32 v7, $-4.000000000e+00;
	v8 =	vmax.f32 v8, $-4.000000000e+00  }
0x78: {  	v9 =	vmax.f32 v9, $-4.000000000e+00;
	v10 =	vmax.f32 v10, $-4.000000000e+00;
	v3 =	vadd.f32 $4.000000000e+00, v3  }
0x79: {  	v11 =	vmax.f32 v11, $-4.000000000e+00;
	v4 =	vadd.f32 $4.000000000e+00, v4;
	v5 =	vadd.f32 $4.000000000e+00, v5  }
0x7a: {  	v13 =	vmax.f32 v13, $-4.000000000e+00;
	v6 =	vadd.f32 $4.000000000e+00, v6;
	v7 =	vadd.f32 $4.000000000e+00, v7  }
0x7b: {  	v18 =	vld [tilespmem:s31+$0x0];
	v15 =	vmax.f32 v15, $-4.000000000e+00;
	v8 =	vadd.f32 $4.000000000e+00, v8;
	v9 =	vadd.f32 $4.000000000e+00, v9  }
0x7c: {  	v10 =	vadd.f32 $4.000000000e+00, v10;
	v3 =	vmul.f32 $3.200000000e+01, v3;
	v4 =	vmul.f32 $3.200000000e+01, v4  }
0x7d: {  	v11 =	vadd.f32 $4.000000000e+00, v11;
	v5 =	vmul.f32 $3.200000000e+01, v5;
	v6 =	vmul.f32 $3.200000000e+01, v6  }
0x7e: {  	v13 =	vadd.f32 $4.000000000e+00, v13;
	v7 =	vmul.f32 $3.200000000e+01, v7;
	v9 =	vmul.f32 $3.200000000e+01, v9  }
0x7f: {  	v15 =	vadd.f32 $4.000000000e+00, v15;
	v8 =	vmul.f32 $3.200000000e+01, v8;
	v10 =	vmul.f32 $3.200000000e+01, v10  }
0x80: {  	v18 =	vmax.f32 v18, $-4.000000000e+00;
	v11 =	vmul.f32 $3.200000000e+01, v11;
	v13 =	vmul.f32 $3.200000000e+01, v13  }
0x81: {  	v15 =	vmul.f32 $3.200000000e+01, v15;
	v3 =	vmin.f32 v3, $2.550000000e+02;
	v4 =	vmin.f32 v4, $2.550000000e+02  }
0x82: {  	v12 =	vld [tilespmem:s31+$0xFFFFFFD0];
	v5 =	vmin.f32 v5, $2.550000000e+02;
	v7 =	vmin.f32 v7, $2.550000000e+02;
	v3 =	vtrunc.f32 v3  }
0x83: {  	v8 =	vmin.f32 v8, $2.550000000e+02;
	v4 =	vtrunc.f32 v4;
	v5 =	vtrunc.f32 v5  }
0x84: {  	v10 =	vmin.f32 v10, $2.550000000e+02;
	v7 =	vtrunc.f32 v7;
	v8 =	vtrunc.f32 v8  }
0x85: {  	v18 =	vadd.f32 $4.000000000e+00, v18;
	v10 =	vtrunc.f32 v10;
	v3 =	vcvt.f32.s32 v3  }
0x86: {  	v9 =	vmin.f32 v9, $2.550000000e+02;
	v17 =	vcvt.f32.s32 v5;
	v5 =	vcvt.f32.s32 v7;
	v7 =	vld [tilespmem:s31+$0x10]  }
0x87: {  	v16 =	vcvt.f32.s32 v4;
	v4 =	vcvt.f32.s32 v8;
	v8 =	vmax.f32 v12, $-4.000000000e+00;
	v12 =	vld [tilespmem:s31+$0xFFFFFFC0]  }
0x88: {  	v9 =	vtrunc.f32 v9;
	v14 =	vadd.s32 v1, v3;
	v3 =	vcvt.f32.s32 v10;
	v10 =	vld [tilespmem:s31+$0x20]  }
0x89: {  	v6 =	vmin.f32 v6, $2.550000000e+02;
	v11 =	vmin.f32 v11, $2.550000000e+02;
	v9 =	vcvt.f32.s32 v9  }
0x8a: {  	v13 =	vmin.f32 v13, $2.550000000e+02;
	v6 =	vtrunc.f32 v6;
	v11 =	vtrunc.f32 v11  }
0x8b: {  	v11 =	vcvt.f32.s32 v11;
	v8 =	vadd.f32 $4.000000000e+00, v8;
	v9 =	vadd.s32 v1, v9  }
0x8c: {  	v16 =	vadd.s32 v1, v16;
	v17 =	vadd.s32 v1, v17;
	v7 =	vmax.f32 v7, $-4.000000000e+00  }
0x8d: {  	v12 =	vmax.f32 v12, $-4.000000000e+00;
	v7 =	vadd.f32 $4.000000000e+00, v7;
	v10 =	vmax.f32 v10, $-4.000000000e+00  }
0x8e: {  	v8 =	vmul.f32 $3.200000000e+01, v8;
	v12 =	vadd.f32 $4.000000000e+00, v12;
	v10 =	vadd.f32 $4.000000000e+00, v10  }
0x8f: {  	[tilespmem:v14+s11+$0x0] =	vst.idx.add.f32.msk $0xffff, v2;
	v14 =	vmul.f32 $3.200000000e+01, v18;
	v63 =	vmul.f32 $3.200000000e+01, v7;
	v7 =	vadd.s32 v1, v11  }
0x90: {  	[tilespmem:v9+s11+$0x0] =	vst.idx.add.f32.msk $0xffff, v2;
	v19 =	vmul.f32 $3.200000000e+01, v12;
	v12 =	vmin.f32 v8, $2.550000000e+02;
	v8 =	vmul.f32 $3.200000000e+01, v10  }
0x91: {  	v6 =	vcvt.f32.s32 v6;
	[tilespmem:v16+s11+$0x0] =	vst.idx.add.f32.msk $0xffff, v2;
	v11 =	vmin.f32 v15, $2.550000000e+02;
	v9 =	vmin.f32 v14, $2.550000000e+02  }
0x92: {  	s19 =	simm.s32 $0x8;
	s20 =	simm.s32 $0x8140;
	[tilespmem:v17+s11+$0x0] =	vst.idx.add.f32.msk $0xffff, v2;
	v14 =	vmin.f32 v19, $2.550000000e+02;
	v10 =	vmin.f32 v63, $2.550000000e+02;
	v8 =	vmin.f32 v8, $2.550000000e+02  }
.LBB2_7:
0x93: {  	v15 =	vld [tilespmem:s20+$0x30];
	v14 =	vtrunc.f32 v14;
	v12 =	vtrunc.f32 v12;
	v16 =	vadd.s32 v1, v6  }
0x94: {  	s19 =	sadd.s32 $0x8, s19;
	v6 =	vtrunc.f32 v13;
	v11 =	vtrunc.f32 v11;
	[tilespmem:v7+s11+$0x0] =	vst.idx.add.f32.msk $0xffff, v2;
	v7 =	vadd.s32 v1, v5  }
0x95: {  	p0 =	slt.u32 s19, $0x7F8;
	v5 =	vtrunc.f32 v9;
	v9 =	vtrunc.f32 v10;
	v10 =	vadd.s32 v1, v4;
	v13 =	vld [tilespmem:s20+$0xFFFFFFD0]  }
0x96: {  	v8 =	vtrunc.f32 v8;
	v4 =	vcvt.f32.s32 v14;
	v14 =	vadd.s32 v1, v3;
	v17 =	vld [tilespmem:s20+$0xFFFFFFE0]  }
0x97: {  	v12 =	vcvt.f32.s32 v12;
	v19 =	vcvt.f32.s32 v6;
	v18 =	vld [tilespmem:s20+$0xFFFFFFF0]  }
0x98: {  	v6 =	vcvt.f32.s32 v11;
	v5 =	vcvt.f32.s32 v5;
	v21 =	vadd.s32 v1, v4;
	v20 =	vld [tilespmem:s20+$0x0]  }
0x99: {  	v3 =	vcvt.f32.s32 v8;
	v4 =	vcvt.f32.s32 v9;
	v15 =	vmax.f32 v15, $-4.000000000e+00;
	v11 =	vld [tilespmem:s20+$0x10]  }
0x9a: {  	v12 =	vadd.s32 v1, v12;
	v8 =	vmax.f32 v13, $-4.000000000e+00;
	v9 =	vld [tilespmem:s20+$0x20];
	v13 =	vadd.f32 $4.000000000e+00, v15  }
0x9b: {  	v19 =	vadd.s32 v1, v19;
	v15 =	vld [tilespmem:s20+$0xFFFFFFC0];
	v8 =	vadd.f32 $4.000000000e+00, v8;
	v17 =	vmax.f32 v17, $-4.000000000e+00  }
0x9c: {  	v17 =	vadd.f32 $4.000000000e+00, v17;
	v18 =	vmax.f32 v18, $-4.000000000e+00;
	v13 =	vmul.f32 $3.200000000e+01, v13;
	[tilespmem:v16+s11+$0x0] =	vst.idx.add.f32.msk $0xffff, v2  }
0x9d: {  	v8 =	vmul.f32 $3.200000000e+01, v8;
	v16 =	vadd.f32 $4.000000000e+00, v18;
	v18 =	vmax.f32 v20, $-4.000000000e+00;
	[tilespmem:v21+s11+$0x0] =	vst.idx.add.f32.msk $0xffff, v2  }
0x9e: {  	v18 =	vadd.f32 $4.000000000e+00, v18;
	v11 =	vmax.f32 v11, $-4.000000000e+00;
	v13 =	vmin.f32 v13, $2.550000000e+02;
	[tilespmem:v7+s11+$0x0] =	vst.idx.add.f32.msk $0xffff, v2  }
0x9f: {  	v7 =	vadd.f32 $4.000000000e+00, v11;
	v9 =	vmax.f32 v9, $-4.000000000e+00;
	v11 =	vtrunc.f32 v13;
	[tilespmem:v12+s11+$0x0] =	vst.idx.add.f32.msk $0xffff, v2  }
0xa0: {  	v12 =	vmax.f32 v15, $-4.000000000e+00;
	v9 =	vadd.f32 $4.000000000e+00, v9;
	v11 =	vcvt.f32.s32 v11;
	[tilespmem:v19+s11+$0x0] =	vst.idx.add.f32.msk $0xffff, v2  }
.Ltmp2:
0xa1: {  	v13 =	vmul.f32 $3.200000000e+01, v17;
	v15 =	vmul.f32 $3.200000000e+01, v16;
	v12 =	vadd.f32 $4.000000000e+00, v12;
	[tilespmem:v10+s11+$0x0] =	vst.idx.add.f32.msk $0xffff, v2;
	(pc) =	sbr.rel @p0 .LBB2_7-.Ltmp2, $4  }
0xa2: {  	v10 =	vmul.f32 $3.200000000e+01, v18;
	v16 =	vmul.f32 $3.200000000e+01, v7;
	v7 =	vadd.s32 v1, v11;
	[tilespmem:v14+s11+$0x0] =	vst.idx.add.f32.msk $0xffff, v2  }
0xa3: {  	v14 =	vmul.f32 $3.200000000e+01, v12;
	v12 =	vmin.f32 v8, $2.550000000e+02;
	v8 =	vmul.f32 $3.200000000e+01, v9  }
0xa4: {  	v13 =	vmin.f32 v13, $2.550000000e+02;
	v11 =	vmin.f32 v15, $2.550000000e+02;
	v9 =	vmin.f32 v10, $2.550000000e+02  }
0xa5: {  	s20 =	sadd.s32 $0x80, s20;
	v10 =	vmin.f32 v16, $2.550000000e+02;
	v14 =	vmin.f32 v14, $2.550000000e+02;
	v8 =	vmin.f32 v8, $2.550000000e+02  }
0xa6: {  	v6 =	vadd.s32 v1, v6  }
0xa7: {  	v14 =	vtrunc.f32 v14;
	v5 =	vadd.s32 v1, v5  }
0xa8: {  	v12 =	vtrunc.f32 v12;
	v4 =	vadd.s32 v1, v4;
	v14 =	vcvt.f32.s32 v14  }
0xa9: {  	v13 =	vtrunc.f32 v13;
	v3 =	vadd.s32 v1, v3;
	v12 =	vcvt.f32.s32 v12  }
0xaa: {  	v11 =	vtrunc.f32 v11;
	[tilespmem:v7+s11+$0x0] =	vst.idx.add.f32.msk $0xffff, v2;
	v13 =	vcvt.f32.s32 v13;
	v14 =	vadd.s32 v1, v14  }
0xab: {  	v9 =	vtrunc.f32 v9;
	v11 =	vcvt.f32.s32 v11;
	v12 =	vadd.s32 v1, v12;
	[tilespmem:v6+s11+$0x0] =	vst.idx.add.f32.msk $0xffff, v2  }
0xac: {  	v8 =	vtrunc.f32 v8;
	v9 =	vcvt.f32.s32 v9;
	v60 =	vadd.s32 v1, v13;
	[tilespmem:v5+s11+$0x0] =	vst.idx.add.f32.msk $0xffff, v2  }
0xad: {  	v61 =	vtrunc.f32 v10;
	v8 =	vcvt.f32.s32 v8;
	v62 =	vadd.s32 v1, v11;
	[tilespmem:v4+s11+$0x0] =	vst.idx.add.f32.msk $0xffff, v2  }
0xae: {  	v9 =	vadd.s32 v1, v9;
	v6 =	vcvt.f32.s32 v61;
	[tilespmem:v3+s11+$0x0] =	vst.idx.add.f32.msk $0xffff, v2  }
0xaf: {  	s18 =	sadd.s32 $0x1, s18;
	v63 =	vadd.s32 v1, v8;
	[tilespmem:v14+s11+$0x0] =	vst.idx.add.f32.msk $0xffff, v2  }
0xb0: {  	p0 =	sne.s32 s18, $0x8;
	v6 =	vadd.s32 v1, v6;
	[tilespmem:v12+s11+$0x0] =	vst.idx.add.f32.msk $0xffff, v2  }
.Ltmp3:
0xb1: {  	[tilespmem:v60+s11+$0x0] =	vst.idx.add.f32.msk $0xffff, v2;
	(pc) =	sbr.rel @p0 .LBB2_4-.Ltmp3, $4  }
0xb2: {  	[tilespmem:v62+s11+$0x0] =	vst.idx.add.f32.msk $0xffff, v2  }
0xb3: {  	[tilespmem:v9+s11+$0x0] =	vst.idx.add.f32.msk $0xffff, v2  }
0xb4: {  	[tilespmem:v63+s11+$0x0] =	vst.idx.add.f32.msk $0xffff, v2  }
0xb5: {  	[tilespmem:v6+s11+$0x0] =	vst.idx.add.f32.msk $0xffff, v2  }
0xb6: {  	v32 =	vld [tilespmem:$0x10000]  }
0xb7: {  	v31 =	vld [tilespmem:$0x10101]  }
0xb8: {  	v35 =	vld [tilespmem:$0x10202]  }
0xb9: {  	v40 =	vld [tilespmem:$0x10303]  }
0xba: {  	v49 =	vld [tilespmem:$0x10404]  }
0xbb: {  	v55 =	vld [tilespmem:$0x10505]  }
0xbc: {  	v3 =	vld [tilespmem:$0x10606]  }
0xbd: {  	v17 =	vld [tilespmem:$0x10010]  }
0xbe: {  	v14 =	vld [tilespmem:$0x10111]  }
0xbf: {  	v19 =	vld [tilespmem:$0x10212]  }
0xc0: {  	v23 =	vld [tilespmem:$0x10313]  }
0xc1: {  	v27 =	vld [tilespmem:$0x10414]  }
0xc2: {  	v43 =	vld [tilespmem:$0x10515]  }
0xc3: {  	v47 =	vld [tilespmem:$0x10616]  }
0xc4: {  	v58 =	vld [tilespmem:$0x10717]  }
0xc5: {  	v57 =	vld [tilespmem:$0x10818]  }
0xc6: {  	v8 =	vld [tilespmem:$0x10020]  }
0xc7: {  	v7 =	vld [tilespmem:$0x10121]  }
0xc8: {  	v10 =	vld [tilespmem:$0x10222]  }
0xc9: {  	v12 =	vld [tilespmem:$0x10323]  }
0xca: {  	v18 =	vld [tilespmem:$0x10424]  }
0xcb: {  	v22 =	vld [tilespmem:$0x10525]  }
0xcc: {  	v26 =	vld [tilespmem:$0x10626]  }
0xcd: {  	v34 =	vld [tilespmem:$0x10727]  }
0xce: {  	v39 =	vld [tilespmem:$0x10828]  }
0xcf: {  	v46 =	vld [tilespmem:$0x10929]  }
0xd0: {  	v54 =	vld [tilespmem:$0x10A2A]  }
0xd1: {  	v63 =	vld [tilespmem:$0x10B2B]  }
0xd2: {  	v4 =	vld [tilespmem:$0x10030]  }
0xd3: {  	v5 =	vld [tilespmem:$0x10232]  }
0xd4: {  	v6 =	vld [tilespmem:$0x10333]  }
0xd5: {  	v9 =	vld [tilespmem:$0x10434]  }
0xd6: {  	v11 =	vld [tilespmem:$0x10535]  }
0xd7: {  	v13 =	vld [tilespmem:$0x10636]  }
0xd8: {  	v20 =	vld [tilespmem:$0x10737]  }
0xd9: {  	v24 =	vld [tilespmem:$0x10838]  }
0xda: {  	v29 =	vld [tilespmem:$0x10939]  }
0xdb: {  	v37 =	vld [tilespmem:$0x10A3A]  }
0xdc: {  	v42 =	vld [tilespmem:$0x10B3B]  }
0xdd: {  	v51 =	vld [tilespmem:$0x10C3C]  }
0xde: {  	v59 =	vld [tilespmem:$0x10D3D]  }
0xdf: {  	v15 =	vld [tilespmem:$0x10E3E]  }
0xe0: {  	v61 =	vld [tilespmem:$0x10F3F]  }
0xe1: {  	v62 =	vld [tilespmem:$0x10040]  }
0xe2: {  	v21 =	vld [tilespmem:$0x10141]  }
0xe3: {  	v25 =	vld [tilespmem:$0x10242]  }
0xe4: {  	v28 =	vld [tilespmem:$0x10343]  }
0xe5: {  	[tilespmem:$0x1FA60] =	vst v3;
	v3 =	vld [tilespmem:$0x10707]  }
0xe6: {  	[tilespmem:$0x1FBC0] =	vst v62;
	v62 =	vld [tilespmem:$0x10555]  }
0xe7: {  	v30 =	vld [tilespmem:$0x10444]  }
0xe8: {  	v33 =	vld [tilespmem:$0x10545]  }
0xe9: {  	v36 =	vld [tilespmem:$0x10646]  }
0xea: {  	[tilespmem:$0x1FA70] =	vst v3;
	v3 =	vld [tilespmem:$0x10808]  }
0xeb: {  	[tilespmem:$0x1FC40] =	vst v62;
	v62 =	vld [tilespmem:$0x10868]  }
0xec: {  	v38 =	vld [tilespmem:$0x10747]  }
0xed: {  	v41 =	vld [tilespmem:$0x10848]  }
0xee: {  	v44 =	vld [tilespmem:$0x10949]  }
0xef: {  	[tilespmem:$0x1FA80] =	vst v3;
	v3 =	vld [tilespmem:$0x10909]  }
0xf0: {  	[tilespmem:$0x1FCE0] =	vst v62;
	v62 =	vld [tilespmem:$0x10979]  }
0xf1: {  	v45 =	vld [tilespmem:$0x10A4A]  }
0xf2: {  	v48 =	vld [tilespmem:$0x10B4B]  }
0xf3: {  	v50 =	vld [tilespmem:$0x10C4C]  }
0xf4: {  	[tilespmem:$0x1FA90] =	vst v3;
	v3 =	vld [tilespmem:$0x10A0A]  }
0xf5: {  	[tilespmem:$0x1FD30] =	vst v62;
	v62 =	vld [tilespmem:$0x10A7A]  }
0xf6: {  	v52 =	vld [tilespmem:$0x10D4D]  }
0xf7: {  	v53 =	vld [tilespmem:$0x10E4E]  }
0xf8: {  	v56 =	vld [tilespmem:$0x10F4F]  }
0xf9: {  	[tilespmem:$0x1FAB0] =	vst v3;
	v3 =	vld [tilespmem:$0x10B0B]  }
0xfa: {  	[tilespmem:$0x1FD70] =	vst v62;
	v62 =	vld [tilespmem:$0x10B7B]  }
0xfb: {  	v60 =	vld [tilespmem:$0x10454]  }
0xfc: {  	v16 =	vld [tilespmem:$0x10070]  }
0xfd: {  	[tilespmem:$0x1FD40] =	vst v48;
	v48 =	vld [tilespmem:$0x10050]  }
0xfe: {  	[tilespmem:$0x1FAD0] =	vst v3;
	v3 =	vld [tilespmem:$0x10C0C]  }
0xff: {  	[tilespmem:$0x1FDB0] =	vst v62;
	v62 =	vld [tilespmem:$0x10C7C]  }
0x100: {  	[tilespmem:$0x1FD00] =	vst v45;
	v45 =	vld [tilespmem:$0x10151]  }
0x101: {  	[tilespmem:$0x1FDC0] =	vst v52;
	v52 =	vld [tilespmem:$0x10252]  }
0x102: {  	[tilespmem:$0x1FBE0] =	vst v61;
	v61 =	vld [tilespmem:$0x10353]  }
0x103: {  	[tilespmem:$0x1FAF0] =	vst v3;
	v3 =	vld [tilespmem:$0x10D0D]  }
0x104: {  	[tilespmem:$0x1FDF0] =	vst v62;
	v62 =	vld [tilespmem:$0x10D7D]  }
0x105: {  	[tilespmem:$0x1FBD0] =	vst v21;
	v21 =	vld [tilespmem:$0x10656]  }
0x106: {  	[tilespmem:$0x1FBF0] =	vst v25;
	v25 =	vld [tilespmem:$0x10757]  }
0x107: {  	[tilespmem:$0x1FC00] =	vst v28;
	v28 =	vld [tilespmem:$0x10858]  }
0x108: {  	[tilespmem:$0x1FB10] =	vst v3;
	v3 =	vld [tilespmem:$0x10E0E]  }
0x109: {  	[tilespmem:$0x1FE30] =	vst v62;
	v62 =	vld [tilespmem:$0x10E7E]  }
0x10a: {  	[tilespmem:$0x1FC10] =	vst v30;
	v30 =	vld [tilespmem:$0x10959]  }
0x10b: {  	[tilespmem:$0x1FC30] =	vst v33;
	v33 =	vld [tilespmem:$0x10A5A]  }
0x10c: {  	[tilespmem:$0x1FC50] =	vst v36;
	v36 =	vld [tilespmem:$0x10B5B]  }
0x10d: {  	[tilespmem:$0x1FB40] =	vst v3;
	v3 =	vld [tilespmem:$0x10F0F]  }
0x10e: {  	[tilespmem:$0x1FE70] =	vst v62;
	v62 =	vld [tilespmem:$0x10F7F]  }
0x10f: {  	[tilespmem:$0x1FC70] =	vst v38;
	v38 =	vld [tilespmem:$0x10C5C]  }
0x110: {  	[tilespmem:$0x1FCA0] =	vst v41;
	v41 =	vld [tilespmem:$0x10D5D]  }
0x111: {  	[tilespmem:$0x1FCD0] =	vst v44;
	v44 =	vld [tilespmem:$0x10E5E]  }
0x112: {  	[tilespmem:$0x1FB70] =	vst v3;
	v3 =	vld [tilespmem:$0x10919]  }
0x113: {  	[tilespmem:$0x1FEB0] =	vst v62;
	v62 =	vld [tilespmem:$0x10080]  }
0x114: {  	[tilespmem:$0x1FD80] =	vst v50;
	v50 =	vld [tilespmem:$0x10F5F]  }
0x115: {  	[tilespmem:$0x1FE40] =	vst v56;
	v56 =	vld [tilespmem:$0x10565]  }
0x116: {  	[tilespmem:$0x1FE00] =	vst v53;
	v53 =	vld [tilespmem:$0x10666]  }
0x117: {  	[tilespmem:$0x1FAA0] =	vst v3;
	v3 =	vld [tilespmem:$0x10A1A]  }
0x118: {  	[tilespmem:$0x1FE90] =	vst v62;
	v62 =	vld [tilespmem:$0x10181]  }
0x119: {  	[tilespmem:$0x1FC20] =	vst v60;
	v60 =	vld [tilespmem:$0x10767]  }
0x11a: {  	[tilespmem:$0x1FBA0] =	vst v15;
	v15 =	vld [tilespmem:$0x10171]  }
0x11b: {  	v31 =	vadd.f32 v31, v32;
	v32 =	vld [tilespmem:$0x10C8C]  }
0x11c: {  	[tilespmem:$0x1FAC0] =	vst v3;
	v3 =	vld [tilespmem:$0x10B1B]  }
0x11d: {  	v7 =	vadd.f32 v7, v8;
	[tilespmem:$0x1FEA0] =	vst v62;
	v62 =	vld [tilespmem:$0x10282]  }
0x11e: {  	v14 =	vadd.f32 v14, v17;
	v8 =	vld [tilespmem:$0x10191]  }
0x11f: {  	v7 =	vadd.f32 v10, v7;
	v10 =	vld [tilespmem:$0x10090]  }
0x120: {  	v35 =	vadd.f32 v35, v31;
	v31 =	vadd.f32 v19, v14;
	v19 =	vld [tilespmem:$0x1FA60]  }
0x121: {  	[tilespmem:$0x1FAE0] =	vst v3;
	v3 =	vld [tilespmem:$0x10C1C]  }
0x122: {  	[tilespmem:$0x1FEC0] =	vst v62;
	v62 =	vld [tilespmem:$0x10383]  }
0x123: {  	v35 =	vadd.f32 v40, v35;
	v40 =	vld [tilespmem:$0x10F8F]  }
0x124: {  	v14 =	vadd.f32 v23, v31;
	v31 =	vld [tilespmem:$0x10595]  }
0x125: {  	[tilespmem:$0x1FCF0] =	vst v30;
	v30 =	vld [tilespmem:$0x10060]  }
0x126: {  	[tilespmem:$0x1FB00] =	vst v3;
	v3 =	vld [tilespmem:$0x10D1D]  }
0x127: {  	[tilespmem:$0x1FED0] =	vst v62;
	v62 =	vld [tilespmem:$0x10484]  }
0x128: {  	[tilespmem:$0x1FCC0] =	vst v28;
	v28 =	vld [tilespmem:$0x10161]  }
0x129: {  	[tilespmem:$0x1FD60] =	vst v36;
	v36 =	vld [tilespmem:$0x10262]  }
0x12a: {  	[tilespmem:$0x1FDE0] =	vst v41;
	v41 =	vld [tilespmem:$0x10363]  }
0x12b: {  	[tilespmem:$0x1FB30] =	vst v3;
	v3 =	vld [tilespmem:$0x10E1E]  }
0x12c: {  	[tilespmem:$0x1FEE0] =	vst v62;
	v62 =	vld [tilespmem:$0x10585]  }
0x12d: {  	[tilespmem:$0x1FE60] =	vst v50;
	v50 =	vld [tilespmem:$0x10464]  }
0x12e: {  	[tilespmem:$0x1FC60] =	vst v21;
	v21 =	vld [tilespmem:$0x10969]  }
0x12f: {  	[tilespmem:$0x1FC90] =	vst v25;
	v25 =	vld [tilespmem:$0x10A6A]  }
0x130: {  	[tilespmem:$0x1FB60] =	vst v3;
	v3 =	vld [tilespmem:$0x10F1F]  }
0x131: {  	[tilespmem:$0x1FEF0] =	vst v62;
	v62 =	vld [tilespmem:$0x10686]  }
0x132: {  	[tilespmem:$0x1FD20] =	vst v33;
	v33 =	vld [tilespmem:$0x10B6B]  }
0x133: {  	[tilespmem:$0x1FDA0] =	vst v38;
	v38 =	vld [tilespmem:$0x10C6C]  }
0x134: {  	[tilespmem:$0x1FE20] =	vst v44;
	v44 =	vld [tilespmem:$0x10D6D]  }
0x135: {  	[tilespmem:$0x1FB90] =	vst v3;
	v3 =	vld [tilespmem:$0x10C2C]  }
0x136: {  	[tilespmem:$0x1FF00] =	vst v62;
	v62 =	vld [tilespmem:$0x10787]  }
0x137: {  	[tilespmem:$0x1FC80] =	vst v53;
	v53 =	vld [tilespmem:$0x10E6E]  }
0x138: {  	[tilespmem:$0x1FCB0] =	vst v60;
	v60 =	vld [tilespmem:$0x10F6F]  }
0x139: {  	[tilespmem:$0x1FF80] =	vst v32;
	v32 =	vld [tilespmem:$0x10E8E]  }
0x13a: {  	[tilespmem:$0x1FB20] =	vst v3;
	v3 =	vld [tilespmem:$0x10D2D]  }
0x13b: {  	[tilespmem:$0x1FF10] =	vst v62;
	v62 =	vld [tilespmem:$0x10888]  }
0x13c: {  	v23 =	vld [tilespmem:$0x1FA70]  }
0x13d: {  	v17 =	vadd.f32 v27, v14;
	v14 =	vld [tilespmem:$0x10F9F]  }
0x13e: {  	v8 =	vadd.f32 v8, v10;
	v10 =	vld [tilespmem:$0x10ACA]  }
0x13f: {  	[tilespmem:$0x1FB50] =	vst v3;
	v3 =	vld [tilespmem:$0x10E2E]  }
0x140: {  	[tilespmem:$0x1FF20] =	vst v62;
	v62 =	vld [tilespmem:$0x10989]  }
0x141: {  	[tilespmem:$0x1FD10] =	vst v21;
	v21 =	vld [tilespmem:$0x10272]  }
0x142: {  	[tilespmem:$0x1FD50] =	vst v25;
	v25 =	vld [tilespmem:$0x10373]  }
0x143: {  	[tilespmem:$0x1FD90] =	vst v33;
	v33 =	vld [tilespmem:$0x10474]  }
0x144: {  	[tilespmem:$0x1FB80] =	vst v3;
	v3 =	vld [tilespmem:$0x10F2F]  }
0x145: {  	[tilespmem:$0x1FF30] =	vst v62;
	v62 =	vld [tilespmem:$0x10A8A]  }
0x146: {  	[tilespmem:$0x1FDD0] =	vst v38;
	v38 =	vld [tilespmem:$0x10575]  }
0x147: {  	[tilespmem:$0x1FE10] =	vst v44;
	v44 =	vld [tilespmem:$0x10676]  }
0x148: {  	[tilespmem:$0x1FE50] =	vst v53;
	v53 =	vld [tilespmem:$0x10777]  }
0x149: {  	[tilespmem:$0x1FBB0] =	vst v3;
	v3 =	vld [tilespmem:$0x10131]  }
0x14a: {  	[tilespmem:$0x1FF50] =	vst v62;
	v62 =	vld [tilespmem:$0x10B8B]  }
0x14b: {  	[tilespmem:$0x1FE80] =	vst v60;
	v60 =	vld [tilespmem:$0x10878]  }
0x14c: {  	[tilespmem:$0x1FFC0] =	vst v32;
	v32 =	vld [tilespmem:$0x10797]  }
0x14d: {  	v27 =	vld [tilespmem:$0x1FA80]  }
0x14e: {  	[tilespmem:$0x1FFE0] =	vst v40;
	v40 =	vld [tilespmem:$0x1FAA0]  }
0x14f: {  	[tilespmem:$0x1FF60] =	vst v62;
	v62 =	vld [tilespmem:$0x10D8D];
	v3 =	vadd.f32 v3, v4  }
0x150: {  	v4 =	vadd.f32 v49, v35;
	v35 =	vld [tilespmem:$0x1FA90]  }
0x151: {  	v49 =	vld [tilespmem:$0x10C9C];
	v3 =	vadd.f32 v5, v3  }
0x152: {  	v4 =	vadd.f32 v55, v4;
	v55 =	vld [tilespmem:$0x1FAB0]  }
0x153: {  	v3 =	vadd.f32 v6, v3;
	v6 =	vld [tilespmem:$0x10393]  }
0x154: {  	v4 =	vadd.f32 v19, v4;
	v19 =	vld [tilespmem:$0x1FB00]  }
0x155: {  	[tilespmem:$0x1FFA0] =	vst v62;
	v62 =	vadd.f32 v12, v7;
	v7 =	vld [tilespmem:$0x10292]  }
0x156: {  	v12 =	vadd.f32 v43, v17;
	v43 =	vld [tilespmem:$0x10494]  }
0x157: {  	v17 =	vld [tilespmem:$0x1FAE0]  }
0x158: {  	[tilespmem:$0x1FF90] =	vst v49;
	v49 =	vld [tilespmem:$0x1FBA0]  }
0x159: {  	v4 =	vadd.f32 v23, v4;
	v23 =	vld [tilespmem:$0x10A9A]  }
0x15a: {  	v3 =	vadd.f32 v9, v3;
	v5 =	vadd.f32 v18, v62;
	v62 =	vld [tilespmem:$0x1FAC0]  }
0x15b: {  	v18 =	vld [tilespmem:$0x1FAF0]  }
0x15c: {  	v3 =	vadd.f32 v11, v3;
	v11 =	vld [tilespmem:$0x100A0]  }
0x15d: {  	v4 =	vadd.f32 v27, v4;
	v27 =	vld [tilespmem:$0x1FB50]  }
0x15e: {  	v5 =	vadd.f32 v22, v5;
	v22 =	vadd.f32 v47, v12;
	v47 =	vld [tilespmem:$0x10696]  }
0x15f: {  	v12 =	vld [tilespmem:$0x10E9E]  }
0x160: {  	v3 =	vadd.f32 v13, v3;
	v13 =	vld [tilespmem:$0x1FAD0]  }
0x161: {  	v4 =	vadd.f32 v35, v4;
	v35 =	vld [tilespmem:$0x102A2]  }
0x162: {  	v9 =	vadd.f32 v58, v22;
	v58 =	vld [tilespmem:$0x10898]  }
0x163: {  	v22 =	vld [tilespmem:$0x1FB20]  }
0x164: {  	v5 =	vadd.f32 v26, v5;
	v26 =	vld [tilespmem:$0x1FB40]  }
0x165: {  	v3 =	vadd.f32 v20, v3;
	v20 =	vld [tilespmem:$0x1FB10]  }
0x166: {  	v4 =	vadd.f32 v55, v4;
	v55 =	vld [tilespmem:$0x1FBD0]  }
0x167: {  	v5 =	vadd.f32 v34, v5;
	v34 =	vld [tilespmem:$0x10999]  }
0x168: {  	v9 =	vadd.f32 v57, v9;
	v57 =	vld [tilespmem:$0x10D9D]  }
0x169: {  	[tilespmem:$0x1FFD0] =	vst v12;
	v12 =	vld [tilespmem:$0x101A1]  }
0x16a: {  	v3 =	vadd.f32 v24, v3;
	v24 =	vld [tilespmem:$0x1FB30]  }
0x16b: {  	v5 =	vadd.f32 v39, v5;
	v39 =	vld [tilespmem:$0x10B9B]  }
0x16c: {  	v9 =	vadd.f32 v40, v9;
	v40 =	vld [tilespmem:$0x1FB80]  }
0x16d: {  	v4 =	vadd.f32 v13, v4;
	v13 =	vld [tilespmem:$0x10FAF]  }
0x16e: {  	v3 =	vadd.f32 v29, v3;
	v29 =	vld [tilespmem:$0x1FB60]  }
0x16f: {  	v5 =	vadd.f32 v46, v5;
	v46 =	vld [tilespmem:$0x1FB90]  }
0x170: {  	v4 =	vadd.f32 v18, v4;
	v18 =	vld [tilespmem:$0x1FC00]  }
0x171: {  	v9 =	vadd.f32 v62, v9;
	v62 =	vadd.f32 v28, v30;
	v28 =	vld [tilespmem:$0x1FC20]  }
0x172: {  	v30 =	vld [tilespmem:$0x1FC30]  }
0x173: {  	v3 =	vadd.f32 v37, v3;
	v37 =	vld [tilespmem:$0x103A3]  }
0x174: {  	[tilespmem:$0x1FF40] =	vst v34;
	v34 =	vld [tilespmem:$0x1FB70]  }
0x175: {  	[tilespmem:$0x1FFB0] =	vst v57;
	v57 =	vld [tilespmem:$0x1FBE0]  }
0x176: {  	v5 =	vadd.f32 v54, v5;
	v54 =	vld [tilespmem:$0x1FBC0]  }
0x177: {  	v9 =	vadd.f32 v17, v9;
	v17 =	vld [tilespmem:$0x10BAB]  }
0x178: {  	v11 =	vadd.f32 v12, v11;
	v12 =	vld [tilespmem:$0x10BCB]  }
0x179: {  	v4 =	vadd.f32 v20, v4;
	[tilespmem:$0x1FF70] =	vst v39;
	v39 =	vld [tilespmem:$0x104A4]  }
0x17a: {  	v3 =	vadd.f32 v42, v3;
	v42 =	vld [tilespmem:$0x106A6]  }
0x17b: {  	v4 =	vadd.f32 v26, v4;
	v26 =	vld [tilespmem:$0x105A5]  }
0x17c: {  	v5 =	vadd.f32 v63, v5;
	v63 =	vadd.f32 v15, v16;
	v16 =	vld [tilespmem:$0x10CAC]  }
0x17d: {  	v9 =	vadd.f32 v19, v9;
	v15 =	vld [tilespmem:$0x10EAE]  }
0x17e: {  	v3 =	vadd.f32 v51, v3;
	v51 =	vld [tilespmem:$0x1FBB0]  }
0x17f: {  	v9 =	vadd.f32 v24, v9;
	v24 =	vadd.f32 v34, v4;
	v34 =	vld [tilespmem:$0x108A8]  }
0x180: {  	v5 =	vadd.f32 v22, v5;
	v22 =	vld [tilespmem:$0x10AAA]  }
0x181: {  	v3 =	vadd.f32 v59, v3;
	v59 =	vld [tilespmem:$0x1FBF0]  }
0x182: {  	v5 =	vadd.f32 v27, v5;
	v27 =	vld [tilespmem:$0x107A7]  }
0x183: {  	v9 =	vadd.f32 v29, v9;
	v3 =	vadd.f32 v49, v3;
	v49 =	vld [tilespmem:$0x1FC90]  }
0x184: {  	v4 =	vadd.f32 v40, v5;
	v40 =	vld [tilespmem:$0x109A9]  }
0x185: {  	v19 =	vadd.f32 v46, v9;
	v9 =	vadd.f32 v21, v63;
	v21 =	vld [tilespmem:$0x1FC10]  }
0x186: {  	v5 =	vadd.f32 v36, v62;
	v36 =	vld [tilespmem:$0x1FC40]  }
0x187: {  	v46 =	vld [tilespmem:$0x1FC70]  }
0x188: {  	v62 =	vld [tilespmem:$0x1FD50]  }
0x189: {  	v63 =	vld [tilespmem:$0x1FD60]  }
0x18a: {  	v20 =	vadd.f32 v57, v3;
	v3 =	vadd.f32 v45, v48;
	v45 =	vld [tilespmem:$0x1FC60]  }
0x18b: {  	v48 =	vld [tilespmem:$0x1FC80]  }
0x18c: {  	v57 =	vld [tilespmem:$0x1FD10]  }
0x18d: {  	v9 =	vadd.f32 v25, v9;
	v25 =	vld [tilespmem:$0x101B1]  }
0x18e: {  	v5 =	vadd.f32 v41, v5;
	v41 =	vld [tilespmem:$0x1FC50]  }
0x18f: {  	v29 =	vadd.f32 v51, v4;
	v51 =	vld [tilespmem:$0x1FCB0]  }
0x190: {  	v4 =	vadd.f32 v55, v54;
	v54 =	vld [tilespmem:$0x1FCE0]  }
0x191: {  	v55 =	vld [tilespmem:$0x1FCF0]  }
0x192: {  	v3 =	vadd.f32 v52, v3;
	v52 =	vld [tilespmem:$0x1FCC0]  }
0x193: {  	v9 =	vadd.f32 v33, v9;
	v33 =	vld [tilespmem:$0x104B4]  }
0x194: {  	v5 =	vadd.f32 v50, v5;
	v50 =	vld [tilespmem:$0x1FCA0]  }
0x195: {  	v4 =	vadd.f32 v59, v4;
	v59 =	vld [tilespmem:$0x1FD20]  }
0x196: {  	v3 =	vadd.f32 v61, v3;
	v61 =	vld [tilespmem:$0x1FD40]  }
0x197: {  	v4 =	vadd.f32 v18, v4;
	v18 =	vld [tilespmem:$0x10DAD]  }
0x198: {  	v9 =	vadd.f32 v38, v9;
	v38 =	vld [tilespmem:$0x106B6]  }
0x199: {  	v5 =	vadd.f32 v56, v5;
	v56 =	vld [tilespmem:$0x1FD00]  }
0x19a: {  	v3 =	vadd.f32 v28, v3;
	v28 =	vld [tilespmem:$0x102B2]  }
0x19b: {  	v4 =	vadd.f32 v21, v4;
	v21 =	vld [tilespmem:$0x100B0]  }
0x19c: {  	v9 =	vadd.f32 v44, v9;
	v44 =	vld [tilespmem:$0x108B8]  }
0x19d: {  	v5 =	vadd.f32 v48, v5;
	v48 =	vld [tilespmem:$0x10BBB]  }
0x19e: {  	v3 =	vadd.f32 v36, v3;
	v36 =	vld [tilespmem:$0x105B5]  }
0x19f: {  	v4 =	vadd.f32 v30, v4;
	v30 =	vld [tilespmem:$0x103B3]  }
0x1a0: {  	v9 =	vadd.f32 v53, v9;
	v53 =	vld [tilespmem:$0x1FCD0]  }
0x1a1: {  	v5 =	vadd.f32 v51, v5;
	v51 =	vld [tilespmem:$0x1FD70]  }
0x1a2: {  	v3 =	vadd.f32 v45, v3;
	v45 =	vld [tilespmem:$0x109B9]  }
0x1a3: {  	v4 =	vadd.f32 v41, v4;
	v41 =	vld [tilespmem:$0x107B7]  }
0x1a4: {  	v9 =	vadd.f32 v60, v9;
	v60 =	vld [tilespmem:$0x1FD30]  }
0x1a5: {  	v5 =	vadd.f32 v54, v5;
	v54 =	vld [tilespmem:$0x1FDA0]  }
0x1a6: {  	v3 =	vadd.f32 v49, v3;
	v49 =	vld [tilespmem:$0x10CBC]  }
0x1a7: {  	v7 =	vadd.f32 v7, v8;
	v8 =	vadd.f32 v25, v21;
	v25 =	vld [tilespmem:$0x1FED0]  }
0x1a8: {  	v4 =	vadd.f32 v46, v4;
	v46 =	vld [tilespmem:$0x10ABA]  }
0x1a9: {  	v5 =	vadd.f32 v57, v5;
	v57 =	vld [tilespmem:$0x1FDD0]  }
0x1aa: {  	v3 =	vadd.f32 v52, v3;
	v52 =	vld [tilespmem:$0x1FD80]  }
0x1ab: {  	v6 =	vadd.f32 v6, v7;
	v7 =	vadd.f32 v28, v8;
	v8 =	vld [tilespmem:$0x10DCD]  }
0x1ac: {  	v4 =	vadd.f32 v50, v4;
	v50 =	vld [tilespmem:$0x10DBD]  }
0x1ad: {  	v5 =	vadd.f32 v62, v5;
	v62 =	vld [tilespmem:$0x1FE10]  }
0x1ae: {  	v3 =	vadd.f32 v55, v3;
	v55 =	vld [tilespmem:$0x1FDB0]  }
0x1af: {  	v9 =	vadd.f32 v60, v9;
	v60 =	vld [tilespmem:$0x1FDF0]  }
0x1b0: {  	v30 =	vadd.f32 v30, v7;
	v7 =	vld [tilespmem:$0x10FCF]  }
0x1b1: {  	v4 =	vadd.f32 v53, v4;
	v53 =	vld [tilespmem:$0x1FD90]  }
0x1b2: {  	v9 =	vadd.f32 v51, v9;
	v51 =	vld [tilespmem:$0x10EBE]  }
0x1b3: {  	v3 =	vadd.f32 v59, v3;
	v59 =	vld [tilespmem:$0x1FDE0]  }
0x1b4: {  	v30 =	vadd.f32 v33, v30;
	v33 =	vld [tilespmem:$0x102D2]  }
0x1b5: {  	v4 =	vadd.f32 v56, v4;
	v56 =	vld [tilespmem:$0x1FDC0]  }
0x1b6: {  	v3 =	vadd.f32 v63, v3;
	v63 =	vld [tilespmem:$0x1FE20]  }
0x1b7: {  	v30 =	vadd.f32 v36, v30;
	v36 =	vld [tilespmem:$0x106D6]  }
0x1b8: {  	v4 =	vadd.f32 v61, v4;
	v9 =	vadd.f32 v55, v9;
	v55 =	vld [tilespmem:$0x102C2]  }
0x1b9: {  	v61 =	vld [tilespmem:$0x1FE00]  }
0x1ba: {  	v5 =	vadd.f32 v53, v5;
	v53 =	vld [tilespmem:$0x100C0];
	v4 =	vadd.f32 v52, v4  }
0x1bb: {  	v3 =	vadd.f32 v54, v3;
	v54 =	vld [tilespmem:$0x101C1]  }
0x1bc: {  	v30 =	vadd.f32 v38, v30;
	v38 =	vld [tilespmem:$0x109D9];
	v4 =	vadd.f32 v56, v4  }
0x1bd: {  	v3 =	vadd.f32 v59, v3;
	v59 =	vld [tilespmem:$0x1FE40]  }
0x1be: {  	v4 =	vadd.f32 v61, v4;
	v61 =	vld [tilespmem:$0x1FE60]  }
0x1bf: {  	v52 =	vld [tilespmem:$0x10FBF]  }
0x1c0: {  	v9 =	vadd.f32 v60, v9;
	v60 =	vld [tilespmem:$0x1FE50];
	v5 =	vadd.f32 v57, v5  }
0x1c1: {  	v57 =	vld [tilespmem:$0x1FE30];
	v3 =	vadd.f32 v63, v3  }
0x1c2: {  	[tilespmem:$0x1FFF0] =	vst v14;
	v14 =	vadd.f32 v62, v5;
	v62 =	vld [tilespmem:$0x1FE80]  }
0x1c3: {  	v5 =	vadd.f32 v59, v4;
	v4 =	vadd.f32 v61, v3;
	v3 =	vld [tilespmem:$0x1FE70]  }
0x1c4: {  	v30 =	vadd.f32 v41, v30;
	v41 =	vld [tilespmem:$0x100E0]  }
0x1c5: {  	v56 =	vld [tilespmem:$0x103C3]  }
0x1c6: {  	v63 =	vld [tilespmem:$0x1FEC0];
	v14 =	vadd.f32 v60, v14;
	v9 =	vadd.f32 v57, v9  }
0x1c7: {  	v61 =	vld [tilespmem:$0x1FEA0]  }
0x1c8: {  	v3 =	vadd.f32 v3, v9;
	v9 =	vadd.f32 v62, v14;
	v14 =	vld [tilespmem:$0x1FE90]  }
0x1c9: {  	v30 =	vadd.f32 v44, v30;
	v44 =	vld [tilespmem:$0x1FF80]  }
0x1ca: {  	v62 =	vld [tilespmem:$0x1FEB0]  }
0x1cb: {  	v60 =	vld [tilespmem:$0x106C6]  }
0x1cc: {  	v57 =	vld [tilespmem:$0x104C4]  }
0x1cd: {  	v59 =	vld [tilespmem:$0x105C5];
	v14 =	vadd.f32 v61, v14  }
0x1ce: {  	v61 =	vld [tilespmem:$0x107C7]  }
0x1cf: {  	v3 =	vadd.f32 v62, v3;
	v62 =	vld [tilespmem:$0x108C8];
	v63 =	vadd.f32 v63, v14  }
0x1d0: {  	v14 =	vld [tilespmem:$0x109C9]  }
0x1d1: {  	v21 =	vadd.f32 v25, v63;
	v63 =	vadd.f32 v35, v11;
	v11 =	vld [tilespmem:$0x10CCC]  }
0x1d2: {  	v35 =	vld [tilespmem:$0x1FEE0]  }
0x1d3: {  	v25 =	vadd.f32 v37, v63;
	v63 =	vadd.f32 v43, v6;
	v6 =	vld [tilespmem:$0x10ECE]  }
0x1d4: {  	v37 =	vld [tilespmem:$0x1FF00]  }
0x1d5: {  	v43 =	vld [tilespmem:$0x1FF30]  }
0x1d6: {  	v28 =	vadd.f32 v31, v63;
	v31 =	vld [tilespmem:$0x100D0]  }
0x1d7: {  	v25 =	vadd.f32 v39, v25;
	v39 =	vld [tilespmem:$0x1FF10]  }
0x1d8: {  	v63 =	vadd.f32 v45, v30;
	v30 =	vld [tilespmem:$0x10ADA]  }
0x1d9: {  	v45 =	vld [tilespmem:$0x1FF90]  }
0x1da: {  	v21 =	vadd.f32 v35, v21;
	v35 =	vld [tilespmem:$0x1FEF0]  }
0x1db: {  	v25 =	vadd.f32 v26, v25;
	v26 =	vld [tilespmem:$0x101D1];
	v28 =	vadd.f32 v47, v28  }
0x1dc: {  	v47 =	vld [tilespmem:$0x1FF40]  }
0x1dd: {  	v28 =	vadd.f32 v32, v28;
	v32 =	vld [tilespmem:$0x104D4]  }
0x1de: {  	v25 =	vadd.f32 v42, v25;
	v42 =	vld [tilespmem:$0x1FF20]  }
0x1df: {  	v21 =	vadd.f32 v35, v21;
	v35 =	vld [tilespmem:$0x103D3]  }
0x1e0: {  	v25 =	vadd.f32 v27, v25;
	v27 =	vld [tilespmem:$0x105D5]  }
0x1e1: {  	v28 =	vadd.f32 v58, v28;
	v58 =	vld [tilespmem:$0x1FF50]  }
0x1e2: {  	v25 =	vadd.f32 v34, v25;
	v34 =	vld [tilespmem:$0x107D7]  }
0x1e3: {  	v21 =	vadd.f32 v37, v21;
	v37 =	vld [tilespmem:$0x108D8]  }
0x1e4: {  	v28 =	vadd.f32 v47, v28;
	v47 =	vld [tilespmem:$0x1FFB0]  }
0x1e5: {  	v21 =	vadd.f32 v39, v21;
	v39 =	vld [tilespmem:$0x10CDC]  }
0x1e6: {  	v25 =	vadd.f32 v40, v25;
	v40 =	vld [tilespmem:$0x10EDE]  }
0x1e7: {  	v23 =	vadd.f32 v23, v28;
	v28 =	vadd.f32 v46, v63;
	v46 =	vld [tilespmem:$0x1FFA0]  }
0x1e8: {  	v63 =	vld [tilespmem:$0x102E2];
	v21 =	vadd.f32 v42, v21  }
0x1e9: {  	v26 =	vadd.f32 v26, v31;
	v42 =	vld [tilespmem:$0x1FF60]  }
0x1ea: {  	v21 =	vadd.f32 v43, v21;
	v43 =	vld [tilespmem:$0x1FF70]  }
0x1eb: {  	v26 =	vadd.f32 v33, v26;
	v22 =	vadd.f32 v22, v25;
	v25 =	vld [tilespmem:$0x10BDB]  }
0x1ec: {  	v28 =	vadd.f32 v48, v28;
	v48 =	vld [tilespmem:$0x1FFC0];
	v21 =	vadd.f32 v58, v21  }
0x1ed: {  	v26 =	vadd.f32 v35, v26;
	v17 =	vadd.f32 v17, v22;
	v22 =	vld [tilespmem:$0x10DDD]  }
0x1ee: {  	v28 =	vadd.f32 v49, v28;
	v49 =	vld [tilespmem:$0x1FFD0];
	v21 =	vadd.f32 v42, v21  }
0x1ef: {  	v16 =	vadd.f32 v16, v17;
	v17 =	vld [tilespmem:$0x10FDF];
	v23 =	vadd.f32 v43, v23  }
0x1f0: {  	v28 =	vadd.f32 v50, v28;
	v50 =	vld [tilespmem:$0x1FFE0];
	v21 =	vadd.f32 v44, v21  }
0x1f1: {  	v16 =	vadd.f32 v18, v16;
	v18 =	vld [tilespmem:$0x101E1];
	v23 =	vadd.f32 v45, v23  }
0x1f2: {  	v26 =	vadd.f32 v32, v26;
	v42 =	vld [tilespmem:$0x100F0];
	v21 =	vadd.f32 v46, v21  }
0x1f3: {  	v15 =	vadd.f32 v15, v16;
	v16 =	vld [tilespmem:$0x101F1];
	v23 =	vadd.f32 v47, v23  }
0x1f4: {  	v58 =	vld [tilespmem:$0x1FFF0];
	v28 =	vadd.f32 v51, v28;
	v21 =	vadd.f32 v48, v21  }
0x1f5: {  	v48 =	vadd.f32 v54, v53;
	v23 =	vadd.f32 v49, v23;
	v49 =	vld [tilespmem:$0x102F2]  }
0x1f6: {  	v13 =	vadd.f32 v13, v15;
	v21 =	vadd.f32 v50, v21;
	v50 =	vld [tilespmem:$0x103E3]  }
0x1f7: {  	v51 =	vld [tilespmem:$0x103F3];
	v18 =	vadd.f32 v18, v41;
	v15 =	vadd.f32 v55, v48  }
0x1f8: {  	v28 =	vadd.f32 v52, v28;
	v52 =	vld [tilespmem:$0x104E4];
	v16 =	vadd.f32 v16, v42  }
0x1f9: {  	v53 =	vld [tilespmem:$0x104F4];
	v18 =	vadd.f32 v63, v18;
	v15 =	vadd.f32 v56, v15  }
0x1fa: {  	v26 =	vadd.f32 v27, v26;
	v54 =	vld [tilespmem:$0x105E5];
	v16 =	vadd.f32 v49, v16  }
0x1fb: {  	v55 =	vld [tilespmem:$0x105F5];
	v15 =	vadd.f32 v57, v15;
	v18 =	vadd.f32 v50, v18  }
0x1fc: {  	v26 =	vadd.f32 v36, v26;
	v56 =	vld [tilespmem:$0x106E6];
	v16 =	vadd.f32 v51, v16  }
0x1fd: {  	v57 =	vld [tilespmem:$0x106F6];
	v15 =	vadd.f32 v59, v15;
	v18 =	vadd.f32 v52, v18  }
0x1fe: {  	v23 =	vadd.f32 v58, v23;
	v58 =	vld [tilespmem:$0x107E7];
	v16 =	vadd.f32 v53, v16  }
0x1ff: {  	v59 =	vld [tilespmem:$0x107F7];
	v15 =	vadd.f32 v60, v15;
	v18 =	vadd.f32 v54, v18  }
0x200: {  	v26 =	vadd.f32 v34, v26;
	v60 =	vld [tilespmem:$0x108E8];
	v16 =	vadd.f32 v55, v16  }
0x201: {  	v15 =	vadd.f32 v61, v15;
	v61 =	vld [tilespmem:$0x108F8];
	v18 =	vadd.f32 v56, v18  }
0x202: {  	v63 =	vld [tilespmem:$0x109E9];
	v16 =	vadd.f32 v57, v16  }
0x203: {  	v36 =	vld [tilespmem:$0x109F9];
	v26 =	vadd.f32 v37, v26;
	v18 =	vadd.f32 v58, v18  }
0x204: {  	v37 =	vld [tilespmem:$0x10AEA];
	v15 =	vadd.f32 v62, v15;
	v16 =	vadd.f32 v59, v16  }
0x205: {  	v26 =	vadd.f32 v38, v26;
	v42 =	vld [tilespmem:$0x10AFA];
	v41 =	vadd.f32 v60, v18  }
0x206: {  	v43 =	vld [tilespmem:$0x10BEB];
	v14 =	vadd.f32 v14, v15;
	v16 =	vadd.f32 v61, v16  }
0x207: {  	[tilespmem:$0x11080] =	vst v24;
	v45 =	vld [tilespmem:$0x10BFB];
	v46 =	vadd.f32 v30, v26;
	v44 =	vadd.f32 v63, v41  }
0x208: {  	[tilespmem:$0x11090] =	vst v19;
	v47 =	vld [tilespmem:$0x10CEC];
	v10 =	vadd.f32 v10, v14;
	v16 =	vadd.f32 v36, v16  }
0x209: {  	[tilespmem:$0x110B0] =	vst v20;
	v19 =	vadd.f32 v25, v46;
	v49 =	vld [tilespmem:$0x10CFC];
	v48 =	vadd.f32 v37, v44  }
0x20a: {  	[tilespmem:$0x110A0] =	vst v29;
	v50 =	vld [tilespmem:$0x10DED];
	v10 =	vadd.f32 v12, v10;
	v16 =	vadd.f32 v42, v16  }
0x20b: {  	[tilespmem:$0x110C0] =	vst v5;
	v53 =	vld [tilespmem:$0x10DFD];
	v54 =	vadd.f32 v39, v19;
	v52 =	vadd.f32 v43, v48  }
0x20c: {  	[tilespmem:$0x110D0] =	vst v4;
	v56 =	vld [tilespmem:$0x10EEE];
	v51 =	vadd.f32 v11, v10;
	v55 =	vadd.f32 v45, v16  }
0x20d: {  	[tilespmem:$0x110F0] =	vst v3;
	v3 =	vadd.f32 v22, v54;
	v58 =	vld [tilespmem:$0x10EFE];
	v57 =	vadd.f32 v47, v52  }
0x20e: {  	[tilespmem:$0x110E0] =	vst v9;
	v60 =	vld [tilespmem:$0x10FEF];
	v5 =	vadd.f32 v8, v51;
	v59 =	vadd.f32 v49, v55  }
0x20f: {  	[tilespmem:$0x11130] =	vst v28;
	v62 =	vld [tilespmem:$0x10FFF];
	v3 =	vadd.f32 v40, v3;
	v61 =	vadd.f32 v50, v57  }
0x210: {  	[tilespmem:$0x11120] =	vst v13;
	v5 =	vadd.f32 v6, v5;
	v4 =	vadd.f32 v53, v59  }
0x211: {  	[tilespmem:$0x11100] =	vst v21;
	v3 =	vadd.f32 v17, v3;
	v6 =	vadd.f32 v56, v61  }
0x212: {  	[tilespmem:$0x11110] =	vst v23;
	v5 =	vadd.f32 v7, v5;
	v4 =	vadd.f32 v58, v4  }
0x213: {  	[tilespmem:$0x11150] =	vst v3;
	v63 =	vadd.f32 v60, v6  }
0x214: {  	s17 =	sadd.s32 $0x1, s17;
	[tilespmem:$0x11140] =	vst v5;
	v3 =	vadd.f32 v62, v4  }
0x215: {  	p0 =	sne.s32 s17, s8;
	[tilespmem:$0x11160] =	vst v63  }
.Ltmp4:
0x216: {  	[tilespmem:$0x11170] =	vst v3;
	(pc) =	sbr.rel @p0 .LBB2_1-.Ltmp4, $4  }
0x217: {  	[hbm4b:s7+s13] =	stream.strided.scatter [tilespmem:s15], [sflag:$0x3], $0x100, s14, s13, $0x38;
	[tilespmem:$0x11180] =	vst v63  }
0x218: {  	_ =	swait.ge [sflag:s16], $0x100  }
0x219: {  	[sflag:s16] =	ssyncset.done $0x0  }
0x21a: {  	[sflag:s16] =	ssyncadd.s32 $0xFFFFFF00  }
0x21b: {  	_ =	sfence.sel $0x180000  }
0x21c: {  	[bflag:$0x0] =	sbarrier.arrive $0xFFFF  }
0x21d: {  	p0 =	sne.s32 s2, $0x0;
	_ =	strace $0x90000047  }
0x21e: {  	s0 =	sadd.s32 @!p0 $0x100000, s0;
	[bflag:$0x2] =	sbarrier.arrive $0xFFFF  }
0x21f: {  	[sflag:s0] =	ssyncadd.tile.s32 @!p0 $0x1;
	_ =	shalt  }
.Lfunc_end2:
_tile_overlayer_lowered:
.L_overlay_start_2:
0x220: {  	(tag) =	ssettag $0x2  }
0x221: {  	s0 =	rddreg [dreg:$0x0];
	s2 =	stileid.u32  }
0x222: {  	s1 =	rddreg [dreg:$0x1];
	p0 =	sne.s32 s2, $0x0  }
0x223: {  	s3 =	rddreg [dreg:$0x2];
	[bflag:$0x3] =	sbarrier.arrive $0xFFFF;
	s2 =	simm.s32 @!p0 $0x1C03  }
0x224: {  	[timem:s3], [sflag:s2] =	dma.local @!p0 [hbm:s0], s1  }
0x225: {  	s0 =	simm.s32 @!p0 $0x3  }
0x226: {  	_ =	swait.ge @!p0 [sflag:s0], s1  }
0x227: {  	s1 =	ssub.s32 @!p0 $0x0, s1;
	[sflag:s0] =	ssyncset.done @!p0 $0x0  }
0x228: {  	[sflag:s0] =	ssyncadd.s32 @!p0 s1  }
0x229: {  	[bflag:$0x3] =	sbarrier.arrive $0xFFFF  }
0x22a: {  	_ =	shalt  }

</sc_bundles>
